<compile_context>
chip_gen: v7x
topology: tpu7x:2x2x1
jax: 0.10.2.dev20260603
libtpu: 0.0.44.dev20260713+nightly
codegen_flags: <defaults>
</compile_context>

<pallas_src>
import jax
import jax.numpy as jnp
from jax import lax
from jax.experimental import pallas as pl
from jax.experimental.pallas import tpu as pltpu
from jax.experimental.pallas import tpu_sc as plsc

_N_BINS = 10
_N = 8388608
_M = 9.999999
_NC = 2
_NS = 16
_L = 16
_NW = _NC * _NS

_CHUNK = 16384
_NCHUNK_SC = 8
_PER_W = _NCHUNK_SC * _CHUNK
_SC_N = _NW * _PER_W
_VECS = _CHUNK // _L

_TC_COLS = 128
_TC_BR = 4096
_TC_GRID = (_N - _SC_N) // (_TC_BR * _TC_COLS)
_TC_B0 = _SC_N // (_TC_BR * _TC_COLS)
_NROWS = _N // _TC_COLS


def _sc_body(u_hbm, e_hbm, part_hbm, u0, e0, u1, e1, acc, sem0, sem1):
    wid = lax.axis_index("s") * _NC + lax.axis_index("c")
    base = wid * _PER_W
    lane = lax.iota(jnp.int32, _L)
    for i in range(_N_BINS):
        acc[i, :] = jnp.zeros((_L,), jnp.float32)

    bufs = ((u0, e0, sem0), (u1, e1, sem1))

    def start(g):
        ub, eb, sm = bufs[g & 1]
        off = base + g * _CHUNK
        cu = pltpu.async_copy(u_hbm.at[pl.ds(off, _CHUNK)], ub, sm)
        ce = pltpu.async_copy(e_hbm.at[pl.ds(off, _CHUNK)], eb, sm)
        return cu, ce

    pend = start(0)
    for g in range(_NCHUNK_SC):
        nxt = start(g + 1) if g + 1 < _NCHUNK_SC else None
        pend[0].wait()
        pend[1].wait()
        ub, eb, _ = bufs[g & 1]

        @plsc.parallel_loop(0, _VECS, unroll=8)
        def _body(i):
            u = ub[pl.ds(i * _L, _L)]
            e = eb[pl.ds(i * _L, _L)]
            row = (u * _M).astype(jnp.int32)
            plsc.addupdate_scatter(acc, [row, lane], u - e)

        pend = nxt
    pltpu.sync_copy(acc, part_hbm.at[wid])


_sc_pass = pl.kernel(
    _sc_body,
    out_type=jax.ShapeDtypeStruct((_NW, _N_BINS, _L), jnp.float32),
    mesh=plsc.VectorSubcoreMesh(core_axis_name="c", subcore_axis_name="s"),
    scratch_types=[
        pltpu.VMEM((_CHUNK,), jnp.float32),
        pltpu.VMEM((_CHUNK,), jnp.float32),
        pltpu.VMEM((_CHUNK,), jnp.float32),
        pltpu.VMEM((_CHUNK,), jnp.float32),
        pltpu.VMEM((_N_BINS, _L), jnp.float32),
        pltpu.SemaphoreType.DMA,
        pltpu.SemaphoreType.DMA,
    ],
    compiler_params=pltpu.CompilerParams(needs_layout_passes=False),
)


def _tc_body(u_ref, e_ref, out_ref):
    u = u_ref[...]
    e = e_ref[...]
    row = (u * _M).astype(jnp.int32)
    d = u - e
    s = jnp.stack([jnp.sum(jnp.where(row == b, d, 0.0), axis=0)
                   for b in range(_N_BINS)])
    out_ref[...] = s.reshape(1, _N_BINS, _TC_COLS)


_tc_pass = pl.pallas_call(
    _tc_body,
    grid=(_TC_GRID,),
    in_specs=[
        pl.BlockSpec((_TC_BR, _TC_COLS), lambda i: (_TC_B0 + i, 0)),
        pl.BlockSpec((_TC_BR, _TC_COLS), lambda i: (_TC_B0 + i, 0)),
    ],
    out_specs=pl.BlockSpec((1, _N_BINS, _TC_COLS), lambda i: (i, 0, 0)),
    out_shape=jax.ShapeDtypeStruct((_TC_GRID, _N_BINS, _TC_COLS), jnp.float32),
)


def _finish_body(part_sc_ref, part_tc_ref, out_ref):
    x = part_sc_ref[...]
    s_sc = jnp.sum(jnp.sum(x, axis=0), axis=1, keepdims=True)
    s_tc = jnp.sum(jnp.sum(part_tc_ref[...], axis=0), axis=1,
                   keepdims=True)
    out_ref[...] = (jnp.sum(jnp.abs(s_sc + s_tc)) * (1.0 / _N)).reshape(1, 1)


_finish = pl.pallas_call(
    _finish_body,
    out_shape=jax.ShapeDtypeStruct((1, 1), jnp.float32),
)


def kernel(uncertainties, errors):
    part_sc = _sc_pass(uncertainties, errors)
    u2 = uncertainties.reshape(_NROWS, _TC_COLS)
    e2 = errors.reshape(_NROWS, _TC_COLS)
    part_tc = _tc_pass(u2, e2)
    return _finish(part_sc, part_tc).reshape(1)

# --- scband reference (transcript-rebuilt; emitter-appended) ---
"""Pipeline reference for scband-uceloss-17343077941753 (READ-ONLY COPY).

The authoritative reference and input builder live on the scoring server;
editing this copy changes nothing except your own understanding.
"""

import jax, jax.numpy as jnp
import numpy as np

N_BINS = 10
N = 8388608

def setup_inputs(seed: int = 0) -> dict:
    key = jax.random.key(seed)
    k1, k2 = jax.random.split(key)
    uncertainties = jax.random.uniform(k1, (N,), dtype=jnp.float32)
    errors = jax.random.uniform(k2, (N,), dtype=jnp.float32)
    return {"uncertainties": uncertainties, "errors": errors}

def reference(uncertainties, errors):
    bin_boundaries = jnp.linspace(0.0, 1.0, N_BINS + 1)
    uce = jnp.zeros((1,), dtype=uncertainties.dtype)
    for i in range(N_BINS):
        bin_lower = bin_boundaries[i]
        bin_upper = bin_boundaries[i + 1]
        in_bin = (uncertainties > bin_lower) & (uncertainties <= bin_upper)
        inb = in_bin.astype(uncertainties.dtype)
        prop_in_bin = jnp.mean(inb)
        cnt = jnp.sum(inb)
        safe_cnt = jnp.maximum(cnt, 1.0)
        error_rate_in_bin = jnp.sum(errors * inb) / safe_cnt
        avg_uncertainty_in_bin = jnp.sum(uncertainties * inb) / safe_cnt
        contrib = jnp.abs(avg_uncertainty_in_bin - error_rate_in_bin) * prop_in_bin
        uce = uce + jnp.where(cnt > 0, contrib, 0.0)
    return uce

if __name__ == "__main__":
    import jax
    _d = setup_inputs()
    print(jax.jit(kernel)(*tuple(_d.values())))

</pallas_src>

<mosaic_0001>
#map = affine_map<(d0, d1) -> (0)>
#map1 = affine_map<(d0, d1) -> (0, 0, 0)>
module attributes {stable_mosaic.version = 14 : i64} {
  func.func @_sc_body(%arg0: i32, %arg1: i32, %arg2: memref<8388608xf32, #tpu.memory_space<hbm>>, %arg3: memref<8388608xf32, #tpu.memory_space<hbm>>, %arg4: memref<32x10x16xf32, #tpu.memory_space<hbm>>, %arg5: memref<16384xf32, #tpu.memory_space<vmem>>, %arg6: memref<16384xf32, #tpu.memory_space<vmem>>, %arg7: memref<16384xf32, #tpu.memory_space<vmem>>, %arg8: memref<16384xf32, #tpu.memory_space<vmem>>, %arg9: memref<10x16xf32, #tpu.memory_space<vmem>>, %arg10: memref<!tpu.dma_semaphore, #tpu.memory_space<semaphore_mem>>, %arg11: memref<!tpu.dma_semaphore, #tpu.memory_space<semaphore_mem>>) attributes {dimension_semantics = [#tpu.dimension_semantics<core_parallel>, #tpu.dimension_semantics<subcore_parallel>], iteration_bounds = array<i64: 2, 16>, scalar_prefetch = 0 : i64, scratch_operands = 7 : i64, tpu.core_type = #tpu.core_type<sc_vector_subcore>, window_params = [{transform_indices = #map}, {transform_indices = #map}, {transform_indices = #map1}]} {
    %mul3A = arith.constant 2 : i32
    %mul3A_0 = arith.muli %arg1, %mul3A : i32
    %add3A = arith.addi %mul3A_0, %arg0 : i32
    %mul3A_1 = arith.constant 131072 : i32
    %mul3A_2 = arith.muli %add3A, %mul3A_1 : i32
    %iota3A = tpu.iota {dimensions = array<i32: 0>} : vector<16xi32>
    %broadcast_in_dim3A = arith.constant 0.000000e+00 : f32
    %broadcast_in_dim3A_3 = vector.broadcast %broadcast_in_dim3A : f32 to vector<16xf32>
    %swap3A = arith.constant 0 : i32
    %swap3A_4 = arith.index_cast %swap3A : i32 to index
    %swap3A_5 = arith.constant 0 : index
    %swap3A_6 = tpu.vector_load %arg9[%swap3A_4, %swap3A_5] {strides = array<i32>} : memref<10x16xf32, #tpu.memory_space<vmem>>, vector<16xf32>,
    tpu.vector_store %arg9[%swap3A_4, %swap3A_5], %broadcast_in_dim3A_3 {strides = array<i32>} : memref<10x16xf32, #tpu.memory_space<vmem>>, vector<16xf32>,
    %broadcast_in_dim3A_7 = arith.constant 0.000000e+00 : f32
    %broadcast_in_dim3A_8 = vector.broadcast %broadcast_in_dim3A_7 : f32 to vector<16xf32>
    %swap3A_9 = arith.constant 1 : i32
    %swap3A_10 = arith.index_cast %swap3A_9 : i32 to index
    %swap3A_11 = arith.constant 0 : index
    %swap3A_12 = tpu.vector_load %arg9[%swap3A_10, %swap3A_11] {strides = array<i32>} : memref<10x16xf32, #tpu.memory_space<vmem>>, vector<16xf32>,
    tpu.vector_store %arg9[%swap3A_10, %swap3A_11], %broadcast_in_dim3A_8 {strides = array<i32>} : memref<10x16xf32, #tpu.memory_space<vmem>>, vector<16xf32>,
    %broadcast_in_dim3A_13 = arith.constant 0.000000e+00 : f32
    %broadcast_in_dim3A_14 = vector.broadcast %broadcast_in_dim3A_13 : f32 to vector<16xf32>
    %swap3A_15 = arith.constant 2 : i32
    %swap3A_16 = arith.index_cast %swap3A_15 : i32 to index
    %swap3A_17 = arith.constant 0 : index
    %swap3A_18 = tpu.vector_load %arg9[%swap3A_16, %swap3A_17] {strides = array<i32>} : memref<10x16xf32, #tpu.memory_space<vmem>>, vector<16xf32>,
    tpu.vector_store %arg9[%swap3A_16, %swap3A_17], %broadcast_in_dim3A_14 {strides = array<i32>} : memref<10x16xf32, #tpu.memory_space<vmem>>, vector<16xf32>,
    %broadcast_in_dim3A_19 = arith.constant 0.000000e+00 : f32
    %broadcast_in_dim3A_20 = vector.broadcast %broadcast_in_dim3A_19 : f32 to vector<16xf32>
    %swap3A_21 = arith.constant 3 : i32
    %swap3A_22 = arith.index_cast %swap3A_21 : i32 to index
    %swap3A_23 = arith.constant 0 : index
    %swap3A_24 = tpu.vector_load %arg9[%swap3A_22, %swap3A_23] {strides = array<i32>} : memref<10x16xf32, #tpu.memory_space<vmem>>, vector<16xf32>,
    tpu.vector_store %arg9[%swap3A_22, %swap3A_23], %broadcast_in_dim3A_20 {strides = array<i32>} : memref<10x16xf32, #tpu.memory_space<vmem>>, vector<16xf32>,
    %broadcast_in_dim3A_25 = arith.constant 0.000000e+00 : f32
    %broadcast_in_dim3A_26 = vector.broadcast %broadcast_in_dim3A_25 : f32 to vector<16xf32>
    %swap3A_27 = arith.constant 4 : i32
    %swap3A_28 = arith.index_cast %swap3A_27 : i32 to index
    %swap3A_29 = arith.constant 0 : index
    %swap3A_30 = tpu.vector_load %arg9[%swap3A_28, %swap3A_29] {strides = array<i32>} : memref<10x16xf32, #tpu.memory_space<vmem>>, vector<16xf32>,
    tpu.vector_store %arg9[%swap3A_28, %swap3A_29], %broadcast_in_dim3A_26 {strides = array<i32>} : memref<10x16xf32, #tpu.memory_space<vmem>>, vector<16xf32>,
    %broadcast_in_dim3A_31 = arith.constant 0.000000e+00 : f32
    %broadcast_in_dim3A_32 = vector.broadcast %broadcast_in_dim3A_31 : f32 to vector<16xf32>
    %swap3A_33 = arith.constant 5 : i32
    %swap3A_34 = arith.index_cast %swap3A_33 : i32 to index
    %swap3A_35 = arith.constant 0 : index
    %swap3A_36 = tpu.vector_load %arg9[%swap3A_34, %swap3A_35] {strides = array<i32>} : memref<10x16xf32, #tpu.memory_space<vmem>>, vector<16xf32>,
    tpu.vector_store %arg9[%swap3A_34, %swap3A_35], %broadcast_in_dim3A_32 {strides = array<i32>} : memref<10x16xf32, #tpu.memory_space<vmem>>, vector<16xf32>,
    %broadcast_in_dim3A_37 = arith.constant 0.000000e+00 : f32
    %broadcast_in_dim3A_38 = vector.broadcast %broadcast_in_dim3A_37 : f32 to vector<16xf32>
    %swap3A_39 = arith.constant 6 : i32
    %swap3A_40 = arith.index_cast %swap3A_39 : i32 to index
    %swap3A_41 = arith.constant 0 : index
    %swap3A_42 = tpu.vector_load %arg9[%swap3A_40, %swap3A_41] {strides = array<i32>} : memref<10x16xf32, #tpu.memory_space<vmem>>, vector<16xf32>,
    tpu.vector_store %arg9[%swap3A_40, %swap3A_41], %broadcast_in_dim3A_38 {strides = array<i32>} : memref<10x16xf32, #tpu.memory_space<vmem>>, vector<16xf32>,
    %broadcast_in_dim3A_43 = arith.constant 0.000000e+00 : f32
    %broadcast_in_dim3A_44 = vector.broadcast %broadcast_in_dim3A_43 : f32 to vector<16xf32>
    %swap3A_45 = arith.constant 7 : i32
    %swap3A_46 = arith.index_cast %swap3A_45 : i32 to index
    %swap3A_47 = arith.constant 0 : index
    %swap3A_48 = tpu.vector_load %arg9[%swap3A_46, %swap3A_47] {strides = array<i32>} : memref<10x16xf32, #tpu.memory_space<vmem>>, vector<16xf32>,
    tpu.vector_store %arg9[%swap3A_46, %swap3A_47], %broadcast_in_dim3A_44 {strides = array<i32>} : memref<10x16xf32, #tpu.memory_space<vmem>>, vector<16xf32>,
    %broadcast_in_dim3A_49 = arith.constant 0.000000e+00 : f32
    %broadcast_in_dim3A_50 = vector.broadcast %broadcast_in_dim3A_49 : f32 to vector<16xf32>
    %swap3A_51 = arith.constant 8 : i32
    %swap3A_52 = arith.index_cast %swap3A_51 : i32 to index
    %swap3A_53 = arith.constant 0 : index
    %swap3A_54 = tpu.vector_load %arg9[%swap3A_52, %swap3A_53] {strides = array<i32>} : memref<10x16xf32, #tpu.memory_space<vmem>>, vector<16xf32>,
    tpu.vector_store %arg9[%swap3A_52, %swap3A_53], %broadcast_in_dim3A_50 {strides = array<i32>} : memref<10x16xf32, #tpu.memory_space<vmem>>, vector<16xf32>,
    %broadcast_in_dim3A_55 = arith.constant 0.000000e+00 : f32
    %broadcast_in_dim3A_56 = vector.broadcast %broadcast_in_dim3A_55 : f32 to vector<16xf32>
    %swap3A_57 = arith.constant 9 : i32
    %swap3A_58 = arith.index_cast %swap3A_57 : i32 to index
    %swap3A_59 = arith.constant 0 : index
    %swap3A_60 = tpu.vector_load %arg9[%swap3A_58, %swap3A_59] {strides = array<i32>} : memref<10x16xf32, #tpu.memory_space<vmem>>, vector<16xf32>,
    tpu.vector_store %arg9[%swap3A_58, %swap3A_59], %broadcast_in_dim3A_56 {strides = array<i32>} : memref<10x16xf32, #tpu.memory_space<vmem>>, vector<16xf32>,
    %add3A_61 = arith.constant 0 : i32
    %add3A_62 = arith.addi %mul3A_2, %add3A_61 : i32
    %dma_start3A = tpu.memref_slice %arg2[%add3A_62] : memref<8388608xf32, #tpu.memory_space<hbm>> -> memref<16384xf32, #tpu.memory_space<hbm>>
    %dma_start3A_63 = tpu.memref_slice %arg2[%add3A_62] : memref<8388608xf32, #tpu.memory_space<hbm>> -> memref<16384xf32, #tpu.memory_space<hbm>>
    tpu.enqueue_dma source(%dma_start3A_63 : memref<16384xf32, #tpu.memory_space<hbm>>) target(%arg5 : memref<16384xf32, #tpu.memory_space<vmem>>) target_semaphore(%arg10 : memref<!tpu.dma_semaphore, #tpu.memory_space<semaphore_mem>>)
    %dma_start3A_64 = tpu.memref_slice %arg3[%add3A_62] : memref<8388608xf32, #tpu.memory_space<hbm>> -> memref<16384xf32, #tpu.memory_space<hbm>>
    %dma_start3A_65 = tpu.memref_slice %arg3[%add3A_62] : memref<8388608xf32, #tpu.memory_space<hbm>> -> memref<16384xf32, #tpu.memory_space<hbm>>
    tpu.enqueue_dma source(%dma_start3A_65 : memref<16384xf32, #tpu.memory_space<hbm>>) target(%arg6 : memref<16384xf32, #tpu.memory_space<vmem>>) target_semaphore(%arg10 : memref<!tpu.dma_semaphore, #tpu.memory_space<semaphore_mem>>)
    %add3A_66 = arith.constant 16384 : i32
    %add3A_67 = arith.addi %mul3A_2, %add3A_66 : i32
    %dma_start3A_68 = tpu.memref_slice %arg2[%add3A_67] : memref<8388608xf32, #tpu.memory_space<hbm>> -> memref<16384xf32, #tpu.memory_space<hbm>>
    %dma_start3A_69 = tpu.memref_slice %arg2[%add3A_67] : memref<8388608xf32, #tpu.memory_space<hbm>> -> memref<16384xf32, #tpu.memory_space<hbm>>
    tpu.enqueue_dma source(%dma_start3A_69 : memref<16384xf32, #tpu.memory_space<hbm>>) target(%arg7 : memref<16384xf32, #tpu.memory_space<vmem>>) target_semaphore(%arg11 : memref<!tpu.dma_semaphore, #tpu.memory_space<semaphore_mem>>)
    %dma_start3A_70 = tpu.memref_slice %arg3[%add3A_67] : memref<8388608xf32, #tpu.memory_space<hbm>> -> memref<16384xf32, #tpu.memory_space<hbm>>
    %dma_start3A_71 = tpu.memref_slice %arg3[%add3A_67] : memref<8388608xf32, #tpu.memory_space<hbm>> -> memref<16384xf32, #tpu.memory_space<hbm>>
    tpu.enqueue_dma source(%dma_start3A_71 : memref<16384xf32, #tpu.memory_space<hbm>>) target(%arg8 : memref<16384xf32, #tpu.memory_space<vmem>>) target_semaphore(%arg11 : memref<!tpu.dma_semaphore, #tpu.memory_space<semaphore_mem>>)
    %dma_wait3A = tpu.memref_slice %arg2[%add3A_62] : memref<8388608xf32, #tpu.memory_space<hbm>> -> memref<16384xf32, #tpu.memory_space<hbm>>
    %dma_wait3A_72 = tpu.memref_slice %arg2[%add3A_62] : memref<8388608xf32, #tpu.memory_space<hbm>> -> memref<16384xf32, #tpu.memory_space<hbm>>
    tpu.wait_dma2 semaphore(%arg10 : memref<!tpu.dma_semaphore, #tpu.memory_space<semaphore_mem>>) src(%dma_wait3A_72 : memref<16384xf32, #tpu.memory_space<hbm>>) dst(%arg5 : memref<16384xf32, #tpu.memory_space<vmem>>)
    %dma_wait3A_73 = tpu.memref_slice %arg3[%add3A_62] : memref<8388608xf32, #tpu.memory_space<hbm>> -> memref<16384xf32, #tpu.memory_space<hbm>>
    %dma_wait3A_74 = tpu.memref_slice %arg3[%add3A_62] : memref<8388608xf32, #tpu.memory_space<hbm>> -> memref<16384xf32, #tpu.memory_space<hbm>>
    tpu.wait_dma2 semaphore(%arg10 : memref<!tpu.dma_semaphore, #tpu.memory_space<semaphore_mem>>) src(%dma_wait3A_74 : memref<16384xf32, #tpu.memory_space<hbm>>) dst(%arg6 : memref<16384xf32, #tpu.memory_space<vmem>>)
    %parallel_loop3A = arith.constant 0 : i32
    %parallel_loop3A_75 = arith.constant 1024 : i32
    %parallel_loop3A_76 = arith.constant 1 : i32
    scf.for %parallel_loop3A_162 = %parallel_loop3A to %parallel_loop3A_75 step %parallel_loop3A_76  : i32 {
      %parallel_loop3A_163 = arith.constant 16 : i32
      %parallel_loop3A_164 = arith.muli %parallel_loop3A_162, %parallel_loop3A_163 : i32
      %parallel_loop3A_165 = arith.index_cast %parallel_loop3A_164 : i32 to index
      %parallel_loop3A_166 = tpu.vector_load %arg5[%parallel_loop3A_165] {strides = array<i32>} : memref<16384xf32, #tpu.memory_space<vmem>>, vector<16xf32>,
      %parallel_loop3A_167 = arith.constant 16 : i32
      %parallel_loop3A_168 = arith.muli %parallel_loop3A_162, %parallel_loop3A_167 : i32
      %parallel_loop3A_169 = arith.index_cast %parallel_loop3A_168 : i32 to index
      %parallel_loop3A_170 = tpu.vector_load %arg6[%parallel_loop3A_169] {strides = array<i32>} : memref<16384xf32, #tpu.memory_space<vmem>>, vector<16xf32>,
      %parallel_loop3A_171 = arith.constant 9.99999904 : f32
      %parallel_loop3A_172 = vector.broadcast %parallel_loop3A_171 : f32 to vector<16xf32>
      %parallel_loop3A_173 = arith.mulf %parallel_loop3A_166, %parallel_loop3A_172 : vector<16xf32>
      %parallel_loop3A_174 = arith.fptosi %parallel_loop3A_173 : vector<16xf32> to vector<16xi32>
      %parallel_loop3A_175 = arith.subf %parallel_loop3A_166, %parallel_loop3A_170 : vector<16xf32>
      tpu.vector_store_idx %arg9[%parallel_loop3A_174, %iota3A], %parallel_loop3A_175 {add = true} : memref<10x16xf32, #tpu.memory_space<vmem>>[vector<16xi32>, vector<16xi32>], vector<16xf32>,
    } {sc.loop_unroll_factor = 8 : i64, sc.parallel_access}
    %add3A_77 = arith.constant 32768 : i32
    %add3A_78 = arith.addi %mul3A_2, %add3A_77 : i32
    %dma_start3A_79 = tpu.memref_slice %arg2[%add3A_78] : memref<8388608xf32, #tpu.memory_space<hbm>> -> memref<16384xf32, #tpu.memory_space<hbm>>
    %dma_start3A_80 = tpu.memref_slice %arg2[%add3A_78] : memref<8388608xf32, #tpu.memory_space<hbm>> -> memref<16384xf32, #tpu.memory_space<hbm>>
    tpu.enqueue_dma source(%dma_start3A_80 : memref<16384xf32, #tpu.memory_space<hbm>>) target(%arg5 : memref<16384xf32, #tpu.memory_space<vmem>>) target_semaphore(%arg10 : memref<!tpu.dma_semaphore, #tpu.memory_space<semaphore_mem>>)
    %dma_start3A_81 = tpu.memref_slice %arg3[%add3A_78] : memref<8388608xf32, #tpu.memory_space<hbm>> -> memref<16384xf32, #tpu.memory_space<hbm>>
    %dma_start3A_82 = tpu.memref_slice %arg3[%add3A_78] : memref<8388608xf32, #tpu.memory_space<hbm>> -> memref<16384xf32, #tpu.memory_space<hbm>>
    tpu.enqueue_dma source(%dma_start3A_82 : memref<16384xf32, #tpu.memory_space<hbm>>) target(%arg6 : memref<16384xf32, #tpu.memory_space<vmem>>) target_semaphore(%arg10 : memref<!tpu.dma_semaphore, #tpu.memory_space<semaphore_mem>>)
    %dma_wait3A_83 = tpu.memref_slice %arg2[%add3A_67] : memref<8388608xf32, #tpu.memory_space<hbm>> -> memref<16384xf32, #tpu.memory_space<hbm>>
    %dma_wait3A_84 = tpu.memref_slice %arg2[%add3A_67] : memref<8388608xf32, #tpu.memory_space<hbm>> -> memref<16384xf32, #tpu.memory_space<hbm>>
    tpu.wait_dma2 semaphore(%arg11 : memref<!tpu.dma_semaphore, #tpu.memory_space<semaphore_mem>>) src(%dma_wait3A_84 : memref<16384xf32, #tpu.memory_space<hbm>>) dst(%arg7 : memref<16384xf32, #tpu.memory_space<vmem>>)
    %dma_wait3A_85 = tpu.memref_slice %arg3[%add3A_67] : memref<8388608xf32, #tpu.memory_space<hbm>> -> memref<16384xf32, #tpu.memory_space<hbm>>
    %dma_wait3A_86 = tpu.memref_slice %arg3[%add3A_67] : memref<8388608xf32, #tpu.memory_space<hbm>> -> memref<16384xf32, #tpu.memory_space<hbm>>
    tpu.wait_dma2 semaphore(%arg11 : memref<!tpu.dma_semaphore, #tpu.memory_space<semaphore_mem>>) src(%dma_wait3A_86 : memref<16384xf32, #tpu.memory_space<hbm>>) dst(%arg8 : memref<16384xf32, #tpu.memory_space<vmem>>)
    %parallel_loop3A_87 = arith.constant 0 : i32
    %parallel_loop3A_88 = arith.constant 1024 : i32
    %parallel_loop3A_89 = arith.constant 1 : i32
    scf.for %parallel_loop3A_162 = %parallel_loop3A_87 to %parallel_loop3A_88 step %parallel_loop3A_89  : i32 {
      %parallel_loop3A_163 = arith.constant 16 : i32
      %parallel_loop3A_164 = arith.muli %parallel_loop3A_162, %parallel_loop3A_163 : i32
      %parallel_loop3A_165 = arith.index_cast %parallel_loop3A_164 : i32 to index
      %parallel_loop3A_166 = tpu.vector_load %arg7[%parallel_loop3A_165] {strides = array<i32>} : memref<16384xf32, #tpu.memory_space<vmem>>, vector<16xf32>,
      %parallel_loop3A_167 = arith.constant 16 : i32
      %parallel_loop3A_168 = arith.muli %parallel_loop3A_162, %parallel_loop3A_167 : i32
      %parallel_loop3A_169 = arith.index_cast %parallel_loop3A_168 : i32 to index
      %parallel_loop3A_170 = tpu.vector_load %arg8[%parallel_loop3A_169] {strides = array<i32>} : memref<16384xf32, #tpu.memory_space<vmem>>, vector<16xf32>,
      %parallel_loop3A_171 = arith.constant 9.99999904 : f32
      %parallel_loop3A_172 = vector.broadcast %parallel_loop3A_171 : f32 to vector<16xf32>
      %parallel_loop3A_173 = arith.mulf %parallel_loop3A_166, %parallel_loop3A_172 : vector<16xf32>
      %parallel_loop3A_174 = arith.fptosi %parallel_loop3A_173 : vector<16xf32> to vector<16xi32>
      %parallel_loop3A_175 = arith.subf %parallel_loop3A_166, %parallel_loop3A_170 : vector<16xf32>
      tpu.vector_store_idx %arg9[%parallel_loop3A_174, %iota3A], %parallel_loop3A_175 {add = true} : memref<10x16xf32, #tpu.memory_space<vmem>>[vector<16xi32>, vector<16xi32>], vector<16xf32>,
    } {sc.loop_unroll_factor = 8 : i64, sc.parallel_access}
    %add3A_90 = arith.constant 49152 : i32
    %add3A_91 = arith.addi %mul3A_2, %add3A_90 : i32
    %dma_start3A_92 = tpu.memref_slice %arg2[%add3A_91] : memref<8388608xf32, #tpu.memory_space<hbm>> -> memref<16384xf32, #tpu.memory_space<hbm>>
    %dma_start3A_93 = tpu.memref_slice %arg2[%add3A_91] : memref<8388608xf32, #tpu.memory_space<hbm>> -> memref<16384xf32, #tpu.memory_space<hbm>>
    tpu.enqueue_dma source(%dma_start3A_93 : memref<16384xf32, #tpu.memory_space<hbm>>) target(%arg7 : memref<16384xf32, #tpu.memory_space<vmem>>) target_semaphore(%arg11 : memref<!tpu.dma_semaphore, #tpu.memory_space<semaphore_mem>>)
    %dma_start3A_94 = tpu.memref_slice %arg3[%add3A_91] : memref<8388608xf32, #tpu.memory_space<hbm>> -> memref<16384xf32, #tpu.memory_space<hbm>>
    %dma_start3A_95 = tpu.memref_slice %arg3[%add3A_91] : memref<8388608xf32, #tpu.memory_space<hbm>> -> memref<16384xf32, #tpu.memory_space<hbm>>
    tpu.enqueue_dma source(%dma_start3A_95 : memref<16384xf32, #tpu.memory_space<hbm>>) target(%arg8 : memref<16384xf32, #tpu.memory_space<vmem>>) target_semaphore(%arg11 : memref<!tpu.dma_semaphore, #tpu.memory_space<semaphore_mem>>)
    %dma_wait3A_96 = tpu.memref_slice %arg2[%add3A_78] : memref<8388608xf32, #tpu.memory_space<hbm>> -> memref<16384xf32, #tpu.memory_space<hbm>>
    %dma_wait3A_97 = tpu.memref_slice %arg2[%add3A_78] : memref<8388608xf32, #tpu.memory_space<hbm>> -> memref<16384xf32, #tpu.memory_space<hbm>>
    tpu.wait_dma2 semaphore(%arg10 : memref<!tpu.dma_semaphore, #tpu.memory_space<semaphore_mem>>) src(%dma_wait3A_97 : memref<16384xf32, #tpu.memory_space<hbm>>) dst(%arg5 : memref<16384xf32, #tpu.memory_space<vmem>>)
    %dma_wait3A_98 = tpu.memref_slice %arg3[%add3A_78] : memref<8388608xf32, #tpu.memory_space<hbm>> -> memref<16384xf32, #tpu.memory_space<hbm>>
    %dma_wait3A_99 = tpu.memref_slice %arg3[%add3A_78] : memref<8388608xf32, #tpu.memory_space<hbm>> -> memref<16384xf32, #tpu.memory_space<hbm>>
    tpu.wait_dma2 semaphore(%arg10 : memref<!tpu.dma_semaphore, #tpu.memory_space<semaphore_mem>>) src(%dma_wait3A_99 : memref<16384xf32, #tpu.memory_space<hbm>>) dst(%arg6 : memref<16384xf32, #tpu.memory_space<vmem>>)
    %parallel_loop3A_100 = arith.constant 0 : i32
    %parallel_loop3A_101 = arith.constant 1024 : i32
    %parallel_loop3A_102 = arith.constant 1 : i32
    scf.for %parallel_loop3A_162 = %parallel_loop3A_100 to %parallel_loop3A_101 step %parallel_loop3A_102  : i32 {
      %parallel_loop3A_163 = arith.constant 16 : i32
      %parallel_loop3A_164 = arith.muli %parallel_loop3A_162, %parallel_loop3A_163 : i32
      %parallel_loop3A_165 = arith.index_cast %parallel_loop3A_164 : i32 to index
      %parallel_loop3A_166 = tpu.vector_load %arg5[%parallel_loop3A_165] {strides = array<i32>} : memref<16384xf32, #tpu.memory_space<vmem>>, vector<16xf32>,
      %parallel_loop3A_167 = arith.constant 16 : i32
      %parallel_loop3A_168 = arith.muli %parallel_loop3A_162, %parallel_loop3A_167 : i32
      %parallel_loop3A_169 = arith.index_cast %parallel_loop3A_168 : i32 to index
      %parallel_loop3A_170 = tpu.vector_load %arg6[%parallel_loop3A_169] {strides = array<i32>} : memref<16384xf32, #tpu.memory_space<vmem>>, vector<16xf32>,
      %parallel_loop3A_171 = arith.constant 9.99999904 : f32
      %parallel_loop3A_172 = vector.broadcast %parallel_loop3A_171 : f32 to vector<16xf32>
      %parallel_loop3A_173 = arith.mulf %parallel_loop3A_166, %parallel_loop3A_172 : vector<16xf32>
      %parallel_loop3A_174 = arith.fptosi %parallel_loop3A_173 : vector<16xf32> to vector<16xi32>
      %parallel_loop3A_175 = arith.subf %parallel_loop3A_166, %parallel_loop3A_170 : vector<16xf32>
      tpu.vector_store_idx %arg9[%parallel_loop3A_174, %iota3A], %parallel_loop3A_175 {add = true} : memref<10x16xf32, #tpu.memory_space<vmem>>[vector<16xi32>, vector<16xi32>], vector<16xf32>,
    } {sc.loop_unroll_factor = 8 : i64, sc.parallel_access}
    %add3A_103 = arith.constant 65536 : i32
    %add3A_104 = arith.addi %mul3A_2, %add3A_103 : i32
    %dma_start3A_105 = tpu.memref_slice %arg2[%add3A_104] : memref<8388608xf32, #tpu.memory_space<hbm>> -> memref<16384xf32, #tpu.memory_space<hbm>>
    %dma_start3A_106 = tpu.memref_slice %arg2[%add3A_104] : memref<8388608xf32, #tpu.memory_space<hbm>> -> memref<16384xf32, #tpu.memory_space<hbm>>
    tpu.enqueue_dma source(%dma_start3A_106 : memref<16384xf32, #tpu.memory_space<hbm>>) target(%arg5 : memref<16384xf32, #tpu.memory_space<vmem>>) target_semaphore(%arg10 : memref<!tpu.dma_semaphore, #tpu.memory_space<semaphore_mem>>)
    %dma_start3A_107 = tpu.memref_slice %arg3[%add3A_104] : memref<8388608xf32, #tpu.memory_space<hbm>> -> memref<16384xf32, #tpu.memory_space<hbm>>
    %dma_start3A_108 = tpu.memref_slice %arg3[%add3A_104] : memref<8388608xf32, #tpu.memory_space<hbm>> -> memref<16384xf32, #tpu.memory_space<hbm>>
    tpu.enqueue_dma source(%dma_start3A_108 : memref<16384xf32, #tpu.memory_space<hbm>>) target(%arg6 : memref<16384xf32, #tpu.memory_space<vmem>>) target_semaphore(%arg10 : memref<!tpu.dma_semaphore, #tpu.memory_space<semaphore_mem>>)
    %dma_wait3A_109 = tpu.memref_slice %arg2[%add3A_91] : memref<8388608xf32, #tpu.memory_space<hbm>> -> memref<16384xf32, #tpu.memory_space<hbm>>
    %dma_wait3A_110 = tpu.memref_slice %arg2[%add3A_91] : memref<8388608xf32, #tpu.memory_space<hbm>> -> memref<16384xf32, #tpu.memory_space<hbm>>
    tpu.wait_dma2 semaphore(%arg11 : memref<!tpu.dma_semaphore, #tpu.memory_space<semaphore_mem>>) src(%dma_wait3A_110 : memref<16384xf32, #tpu.memory_space<hbm>>) dst(%arg7 : memref<16384xf32, #tpu.memory_space<vmem>>)
    %dma_wait3A_111 = tpu.memref_slice %arg3[%add3A_91] : memref<8388608xf32, #tpu.memory_space<hbm>> -> memref<16384xf32, #tpu.memory_space<hbm>>
    %dma_wait3A_112 = tpu.memref_slice %arg3[%add3A_91] : memref<8388608xf32, #tpu.memory_space<hbm>> -> memref<16384xf32, #tpu.memory_space<hbm>>
    tpu.wait_dma2 semaphore(%arg11 : memref<!tpu.dma_semaphore, #tpu.memory_space<semaphore_mem>>) src(%dma_wait3A_112 : memref<16384xf32, #tpu.memory_space<hbm>>) dst(%arg8 : memref<16384xf32, #tpu.memory_space<vmem>>)
    %parallel_loop3A_113 = arith.constant 0 : i32
    %parallel_loop3A_114 = arith.constant 1024 : i32
    %parallel_loop3A_115 = arith.constant 1 : i32
    scf.for %parallel_loop3A_162 = %parallel_loop3A_113 to %parallel_loop3A_114 step %parallel_loop3A_115  : i32 {
      %parallel_loop3A_163 = arith.constant 16 : i32
      %parallel_loop3A_164 = arith.muli %parallel_loop3A_162, %parallel_loop3A_163 : i32
      %parallel_loop3A_165 = arith.index_cast %parallel_loop3A_164 : i32 to index
      %parallel_loop3A_166 = tpu.vector_load %arg7[%parallel_loop3A_165] {strides = array<i32>} : memref<16384xf32, #tpu.memory_space<vmem>>, vector<16xf32>,
      %parallel_loop3A_167 = arith.constant 16 : i32
      %parallel_loop3A_168 = arith.muli %parallel_loop3A_162, %parallel_loop3A_167 : i32
      %parallel_loop3A_169 = arith.index_cast %parallel_loop3A_168 : i32 to index
      %parallel_loop3A_170 = tpu.vector_load %arg8[%parallel_loop3A_169] {strides = array<i32>} : memref<16384xf32, #tpu.memory_space<vmem>>, vector<16xf32>,
      %parallel_loop3A_171 = arith.constant 9.99999904 : f32
      %parallel_loop3A_172 = vector.broadcast %parallel_loop3A_171 : f32 to vector<16xf32>
      %parallel_loop3A_173 = arith.mulf %parallel_loop3A_166, %parallel_loop3A_172 : vector<16xf32>
      %parallel_loop3A_174 = arith.fptosi %parallel_loop3A_173 : vector<16xf32> to vector<16xi32>
      %parallel_loop3A_175 = arith.subf %parallel_loop3A_166, %parallel_loop3A_170 : vector<16xf32>
      tpu.vector_store_idx %arg9[%parallel_loop3A_174, %iota3A], %parallel_loop3A_175 {add = true} : memref<10x16xf32, #tpu.memory_space<vmem>>[vector<16xi32>, vector<16xi32>], vector<16xf32>,
    } {sc.loop_unroll_factor = 8 : i64, sc.parallel_access}
    %add3A_116 = arith.constant 81920 : i32
    %add3A_117 = arith.addi %mul3A_2, %add3A_116 : i32
    %dma_start3A_118 = tpu.memref_slice %arg2[%add3A_117] : memref<8388608xf32, #tpu.memory_space<hbm>> -> memref<16384xf32, #tpu.memory_space<hbm>>
    %dma_start3A_119 = tpu.memref_slice %arg2[%add3A_117] : memref<8388608xf32, #tpu.memory_space<hbm>> -> memref<16384xf32, #tpu.memory_space<hbm>>
    tpu.enqueue_dma source(%dma_start3A_119 : memref<16384xf32, #tpu.memory_space<hbm>>) target(%arg7 : memref<16384xf32, #tpu.memory_space<vmem>>) target_semaphore(%arg11 : memref<!tpu.dma_semaphore, #tpu.memory_space<semaphore_mem>>)
    %dma_start3A_120 = tpu.memref_slice %arg3[%add3A_117] : memref<8388608xf32, #tpu.memory_space<hbm>> -> memref<16384xf32, #tpu.memory_space<hbm>>
    %dma_start3A_121 = tpu.memref_slice %arg3[%add3A_117] : memref<8388608xf32, #tpu.memory_space<hbm>> -> memref<16384xf32, #tpu.memory_space<hbm>>
    tpu.enqueue_dma source(%dma_start3A_121 : memref<16384xf32, #tpu.memory_space<hbm>>) target(%arg8 : memref<16384xf32, #tpu.memory_space<vmem>>) target_semaphore(%arg11 : memref<!tpu.dma_semaphore, #tpu.memory_space<semaphore_mem>>)
    %dma_wait3A_122 = tpu.memref_slice %arg2[%add3A_104] : memref<8388608xf32, #tpu.memory_space<hbm>> -> memref<16384xf32, #tpu.memory_space<hbm>>
    %dma_wait3A_123 = tpu.memref_slice %arg2[%add3A_104] : memref<8388608xf32, #tpu.memory_space<hbm>> -> memref<16384xf32, #tpu.memory_space<hbm>>
    tpu.wait_dma2 semaphore(%arg10 : memref<!tpu.dma_semaphore, #tpu.memory_space<semaphore_mem>>) src(%dma_wait3A_123 : memref<16384xf32, #tpu.memory_space<hbm>>) dst(%arg5 : memref<16384xf32, #tpu.memory_space<vmem>>)
    %dma_wait3A_124 = tpu.memref_slice %arg3[%add3A_104] : memref<8388608xf32, #tpu.memory_space<hbm>> -> memref<16384xf32, #tpu.memory_space<hbm>>
    %dma_wait3A_125 = tpu.memref_slice %arg3[%add3A_104] : memref<8388608xf32, #tpu.memory_space<hbm>> -> memref<16384xf32, #tpu.memory_space<hbm>>
    tpu.wait_dma2 semaphore(%arg10 : memref<!tpu.dma_semaphore, #tpu.memory_space<semaphore_mem>>) src(%dma_wait3A_125 : memref<16384xf32, #tpu.memory_space<hbm>>) dst(%arg6 : memref<16384xf32, #tpu.memory_space<vmem>>)
    %parallel_loop3A_126 = arith.constant 0 : i32
    %parallel_loop3A_127 = arith.constant 1024 : i32
    %parallel_loop3A_128 = arith.constant 1 : i32
    scf.for %parallel_loop3A_162 = %parallel_loop3A_126 to %parallel_loop3A_127 step %parallel_loop3A_128  : i32 {
      %parallel_loop3A_163 = arith.constant 16 : i32
      %parallel_loop3A_164 = arith.muli %parallel_loop3A_162, %parallel_loop3A_163 : i32
      %parallel_loop3A_165 = arith.index_cast %parallel_loop3A_164 : i32 to index
      %parallel_loop3A_166 = tpu.vector_load %arg5[%parallel_loop3A_165] {strides = array<i32>} : memref<16384xf32, #tpu.memory_space<vmem>>, vector<16xf32>,
      %parallel_loop3A_167 = arith.constant 16 : i32
      %parallel_loop3A_168 = arith.muli %parallel_loop3A_162, %parallel_loop3A_167 : i32
      %parallel_loop3A_169 = arith.index_cast %parallel_loop3A_168 : i32 to index
      %parallel_loop3A_170 = tpu.vector_load %arg6[%parallel_loop3A_169] {strides = array<i32>} : memref<16384xf32, #tpu.memory_space<vmem>>, vector<16xf32>,
      %parallel_loop3A_171 = arith.constant 9.99999904 : f32
      %parallel_loop3A_172 = vector.broadcast %parallel_loop3A_171 : f32 to vector<16xf32>
      %parallel_loop3A_173 = arith.mulf %parallel_loop3A_166, %parallel_loop3A_172 : vector<16xf32>
      %parallel_loop3A_174 = arith.fptosi %parallel_loop3A_173 : vector<16xf32> to vector<16xi32>
      %parallel_loop3A_175 = arith.subf %parallel_loop3A_166, %parallel_loop3A_170 : vector<16xf32>
      tpu.vector_store_idx %arg9[%parallel_loop3A_174, %iota3A], %parallel_loop3A_175 {add = true} : memref<10x16xf32, #tpu.memory_space<vmem>>[vector<16xi32>, vector<16xi32>], vector<16xf32>,
    } {sc.loop_unroll_factor = 8 : i64, sc.parallel_access}
    %add3A_129 = arith.constant 98304 : i32
    %add3A_130 = arith.addi %mul3A_2, %add3A_129 : i32
    %dma_start3A_131 = tpu.memref_slice %arg2[%add3A_130] : memref<8388608xf32, #tpu.memory_space<hbm>> -> memref<16384xf32, #tpu.memory_space<hbm>>
    %dma_start3A_132 = tpu.memref_slice %arg2[%add3A_130] : memref<8388608xf32, #tpu.memory_space<hbm>> -> memref<16384xf32, #tpu.memory_space<hbm>>
    tpu.enqueue_dma source(%dma_start3A_132 : memref<16384xf32, #tpu.memory_space<hbm>>) target(%arg5 : memref<16384xf32, #tpu.memory_space<vmem>>) target_semaphore(%arg10 : memref<!tpu.dma_semaphore, #tpu.memory_space<semaphore_mem>>)
    %dma_start3A_133 = tpu.memref_slice %arg3[%add3A_130] : memref<8388608xf32, #tpu.memory_space<hbm>> -> memref<16384xf32, #tpu.memory_space<hbm>>
    %dma_start3A_134 = tpu.memref_slice %arg3[%add3A_130] : memref<8388608xf32, #tpu.memory_space<hbm>> -> memref<16384xf32, #tpu.memory_space<hbm>>
    tpu.enqueue_dma source(%dma_start3A_134 : memref<16384xf32, #tpu.memory_space<hbm>>) target(%arg6 : memref<16384xf32, #tpu.memory_space<vmem>>) target_semaphore(%arg10 : memref<!tpu.dma_semaphore, #tpu.memory_space<semaphore_mem>>)
    %dma_wait3A_135 = tpu.memref_slice %arg2[%add3A_117] : memref<8388608xf32, #tpu.memory_space<hbm>> -> memref<16384xf32, #tpu.memory_space<hbm>>
    %dma_wait3A_136 = tpu.memref_slice %arg2[%add3A_117] : memref<8388608xf32, #tpu.memory_space<hbm>> -> memref<16384xf32, #tpu.memory_space<hbm>>
    tpu.wait_dma2 semaphore(%arg11 : memref<!tpu.dma_semaphore, #tpu.memory_space<semaphore_mem>>) src(%dma_wait3A_136 : memref<16384xf32, #tpu.memory_space<hbm>>) dst(%arg7 : memref<16384xf32, #tpu.memory_space<vmem>>)
    %dma_wait3A_137 = tpu.memref_slice %arg3[%add3A_117] : memref<8388608xf32, #tpu.memory_space<hbm>> -> memref<16384xf32, #tpu.memory_space<hbm>>
    %dma_wait3A_138 = tpu.memref_slice %arg3[%add3A_117] : memref<8388608xf32, #tpu.memory_space<hbm>> -> memref<16384xf32, #tpu.memory_space<hbm>>
    tpu.wait_dma2 semaphore(%arg11 : memref<!tpu.dma_semaphore, #tpu.memory_space<semaphore_mem>>) src(%dma_wait3A_138 : memref<16384xf32, #tpu.memory_space<hbm>>) dst(%arg8 : memref<16384xf32, #tpu.memory_space<vmem>>)
    %parallel_loop3A_139 = arith.constant 0 : i32
    %parallel_loop3A_140 = arith.constant 1024 : i32
    %parallel_loop3A_141 = arith.constant 1 : i32
    scf.for %parallel_loop3A_162 = %parallel_loop3A_139 to %parallel_loop3A_140 step %parallel_loop3A_141  : i32 {
      %parallel_loop3A_163 = arith.constant 16 : i32
      %parallel_loop3A_164 = arith.muli %parallel_loop3A_162, %parallel_loop3A_163 : i32
      %parallel_loop3A_165 = arith.index_cast %parallel_loop3A_164 : i32 to index
      %parallel_loop3A_166 = tpu.vector_load %arg7[%parallel_loop3A_165] {strides = array<i32>} : memref<16384xf32, #tpu.memory_space<vmem>>, vector<16xf32>,
      %parallel_loop3A_167 = arith.constant 16 : i32
      %parallel_loop3A_168 = arith.muli %parallel_loop3A_162, %parallel_loop3A_167 : i32
      %parallel_loop3A_169 = arith.index_cast %parallel_loop3A_168 : i32 to index
      %parallel_loop3A_170 = tpu.vector_load %arg8[%parallel_loop3A_169] {strides = array<i32>} : memref<16384xf32, #tpu.memory_space<vmem>>, vector<16xf32>,
      %parallel_loop3A_171 = arith.constant 9.99999904 : f32
      %parallel_loop3A_172 = vector.broadcast %parallel_loop3A_171 : f32 to vector<16xf32>
      %parallel_loop3A_173 = arith.mulf %parallel_loop3A_166, %parallel_loop3A_172 : vector<16xf32>
      %parallel_loop3A_174 = arith.fptosi %parallel_loop3A_173 : vector<16xf32> to vector<16xi32>
      %parallel_loop3A_175 = arith.subf %parallel_loop3A_166, %parallel_loop3A_170 : vector<16xf32>
      tpu.vector_store_idx %arg9[%parallel_loop3A_174, %iota3A], %parallel_loop3A_175 {add = true} : memref<10x16xf32, #tpu.memory_space<vmem>>[vector<16xi32>, vector<16xi32>], vector<16xf32>,
    } {sc.loop_unroll_factor = 8 : i64, sc.parallel_access}
    %add3A_142 = arith.constant 114688 : i32
    %add3A_143 = arith.addi %mul3A_2, %add3A_142 : i32
    %dma_start3A_144 = tpu.memref_slice %arg2[%add3A_143] : memref<8388608xf32, #tpu.memory_space<hbm>> -> memref<16384xf32, #tpu.memory_space<hbm>>
    %dma_start3A_145 = tpu.memref_slice %arg2[%add3A_143] : memref<8388608xf32, #tpu.memory_space<hbm>> -> memref<16384xf32, #tpu.memory_space<hbm>>
    tpu.enqueue_dma source(%dma_start3A_145 : memref<16384xf32, #tpu.memory_space<hbm>>) target(%arg7 : memref<16384xf32, #tpu.memory_space<vmem>>) target_semaphore(%arg11 : memref<!tpu.dma_semaphore, #tpu.memory_space<semaphore_mem>>)
    %dma_start3A_146 = tpu.memref_slice %arg3[%add3A_143] : memref<8388608xf32, #tpu.memory_space<hbm>> -> memref<16384xf32, #tpu.memory_space<hbm>>
    %dma_start3A_147 = tpu.memref_slice %arg3[%add3A_143] : memref<8388608xf32, #tpu.memory_space<hbm>> -> memref<16384xf32, #tpu.memory_space<hbm>>
    tpu.enqueue_dma source(%dma_start3A_147 : memref<16384xf32, #tpu.memory_space<hbm>>) target(%arg8 : memref<16384xf32, #tpu.memory_space<vmem>>) target_semaphore(%arg11 : memref<!tpu.dma_semaphore, #tpu.memory_space<semaphore_mem>>)
    %dma_wait3A_148 = tpu.memref_slice %arg2[%add3A_130] : memref<8388608xf32, #tpu.memory_space<hbm>> -> memref<16384xf32, #tpu.memory_space<hbm>>
    %dma_wait3A_149 = tpu.memref_slice %arg2[%add3A_130] : memref<8388608xf32, #tpu.memory_space<hbm>> -> memref<16384xf32, #tpu.memory_space<hbm>>
    tpu.wait_dma2 semaphore(%arg10 : memref<!tpu.dma_semaphore, #tpu.memory_space<semaphore_mem>>) src(%dma_wait3A_149 : memref<16384xf32, #tpu.memory_space<hbm>>) dst(%arg5 : memref<16384xf32, #tpu.memory_space<vmem>>)
    %dma_wait3A_150 = tpu.memref_slice %arg3[%add3A_130] : memref<8388608xf32, #tpu.memory_space<hbm>> -> memref<16384xf32, #tpu.memory_space<hbm>>
    %dma_wait3A_151 = tpu.memref_slice %arg3[%add3A_130] : memref<8388608xf32, #tpu.memory_space<hbm>> -> memref<16384xf32, #tpu.memory_space<hbm>>
    tpu.wait_dma2 semaphore(%arg10 : memref<!tpu.dma_semaphore, #tpu.memory_space<semaphore_mem>>) src(%dma_wait3A_151 : memref<16384xf32, #tpu.memory_space<hbm>>) dst(%arg6 : memref<16384xf32, #tpu.memory_space<vmem>>)
    %parallel_loop3A_152 = arith.constant 0 : i32
    %parallel_loop3A_153 = arith.constant 1024 : i32
    %parallel_loop3A_154 = arith.constant 1 : i32
    scf.for %parallel_loop3A_162 = %parallel_loop3A_152 to %parallel_loop3A_153 step %parallel_loop3A_154  : i32 {
      %parallel_loop3A_163 = arith.constant 16 : i32
      %parallel_loop3A_164 = arith.muli %parallel_loop3A_162, %parallel_loop3A_163 : i32
      %parallel_loop3A_165 = arith.index_cast %parallel_loop3A_164 : i32 to index
      %parallel_loop3A_166 = tpu.vector_load %arg5[%parallel_loop3A_165] {strides = array<i32>} : memref<16384xf32, #tpu.memory_space<vmem>>, vector<16xf32>,
      %parallel_loop3A_167 = arith.constant 16 : i32
      %parallel_loop3A_168 = arith.muli %parallel_loop3A_162, %parallel_loop3A_167 : i32
      %parallel_loop3A_169 = arith.index_cast %parallel_loop3A_168 : i32 to index
      %parallel_loop3A_170 = tpu.vector_load %arg6[%parallel_loop3A_169] {strides = array<i32>} : memref<16384xf32, #tpu.memory_space<vmem>>, vector<16xf32>,
      %parallel_loop3A_171 = arith.constant 9.99999904 : f32
      %parallel_loop3A_172 = vector.broadcast %parallel_loop3A_171 : f32 to vector<16xf32>
      %parallel_loop3A_173 = arith.mulf %parallel_loop3A_166, %parallel_loop3A_172 : vector<16xf32>
      %parallel_loop3A_174 = arith.fptosi %parallel_loop3A_173 : vector<16xf32> to vector<16xi32>
      %parallel_loop3A_175 = arith.subf %parallel_loop3A_166, %parallel_loop3A_170 : vector<16xf32>
      tpu.vector_store_idx %arg9[%parallel_loop3A_174, %iota3A], %parallel_loop3A_175 {add = true} : memref<10x16xf32, #tpu.memory_space<vmem>>[vector<16xi32>, vector<16xi32>], vector<16xf32>,
    } {sc.loop_unroll_factor = 8 : i64, sc.parallel_access}
    %dma_wait3A_155 = tpu.memref_slice %arg2[%add3A_143] : memref<8388608xf32, #tpu.memory_space<hbm>> -> memref<16384xf32, #tpu.memory_space<hbm>>
    %dma_wait3A_156 = tpu.memref_slice %arg2[%add3A_143] : memref<8388608xf32, #tpu.memory_space<hbm>> -> memref<16384xf32, #tpu.memory_space<hbm>>
    tpu.wait_dma2 semaphore(%arg11 : memref<!tpu.dma_semaphore, #tpu.memory_space<semaphore_mem>>) src(%dma_wait3A_156 : memref<16384xf32, #tpu.memory_space<hbm>>) dst(%arg7 : memref<16384xf32, #tpu.memory_space<vmem>>)
    %dma_wait3A_157 = tpu.memref_slice %arg3[%add3A_143] : memref<8388608xf32, #tpu.memory_space<hbm>> -> memref<16384xf32, #tpu.memory_space<hbm>>
    %dma_wait3A_158 = tpu.memref_slice %arg3[%add3A_143] : memref<8388608xf32, #tpu.memory_space<hbm>> -> memref<16384xf32, #tpu.memory_space<hbm>>
    tpu.wait_dma2 semaphore(%arg11 : memref<!tpu.dma_semaphore, #tpu.memory_space<semaphore_mem>>) src(%dma_wait3A_158 : memref<16384xf32, #tpu.memory_space<hbm>>) dst(%arg8 : memref<16384xf32, #tpu.memory_space<vmem>>)
    %parallel_loop3A_159 = arith.constant 0 : i32
    %parallel_loop3A_160 = arith.constant 1024 : i32
    %parallel_loop3A_161 = arith.constant 1 : i32
    scf.for %parallel_loop3A_162 = %parallel_loop3A_159 to %parallel_loop3A_160 step %parallel_loop3A_161  : i32 {
      %parallel_loop3A_163 = arith.constant 16 : i32
      %parallel_loop3A_164 = arith.muli %parallel_loop3A_162, %parallel_loop3A_163 : i32
      %parallel_loop3A_165 = arith.index_cast %parallel_loop3A_164 : i32 to index
      %parallel_loop3A_166 = tpu.vector_load %arg7[%parallel_loop3A_165] {strides = array<i32>} : memref<16384xf32, #tpu.memory_space<vmem>>, vector<16xf32>,
      %parallel_loop3A_167 = arith.constant 16 : i32
      %parallel_loop3A_168 = arith.muli %parallel_loop3A_162, %parallel_loop3A_167 : i32
      %parallel_loop3A_169 = arith.index_cast %parallel_loop3A_168 : i32 to index
      %parallel_loop3A_170 = tpu.vector_load %arg8[%parallel_loop3A_169] {strides = array<i32>} : memref<16384xf32, #tpu.memory_space<vmem>>, vector<16xf32>,
      %parallel_loop3A_171 = arith.constant 9.99999904 : f32
      %parallel_loop3A_172 = vector.broadcast %parallel_loop3A_171 : f32 to vector<16xf32>
      %parallel_loop3A_173 = arith.mulf %parallel_loop3A_166, %parallel_loop3A_172 : vector<16xf32>
      %parallel_loop3A_174 = arith.fptosi %parallel_loop3A_173 : vector<16xf32> to vector<16xi32>
      %parallel_loop3A_175 = arith.subf %parallel_loop3A_166, %parallel_loop3A_170 : vector<16xf32>
      tpu.vector_store_idx %arg9[%parallel_loop3A_174, %iota3A], %parallel_loop3A_175 {add = true} : memref<10x16xf32, #tpu.memory_space<vmem>>[vector<16xi32>, vector<16xi32>], vector<16xf32>,
    } {sc.loop_unroll_factor = 8 : i64, sc.parallel_access}
    "tpu.region"() ({
      %run_scoped3A = tpu.sem_alloc : memref<!tpu.dma_semaphore, #tpu.memory_space<semaphore_mem>>
      %dma_start3A_162 = arith.constant 0 : i32
      %dma_start3A_163 = arith.constant 0 : i32
      %dma_start3A_164 = tpu.memref_slice %arg4[%add3A, %dma_start3A_162, %dma_start3A_163] : memref<32x10x16xf32, #tpu.memory_space<hbm>> -> memref<1x10x16xf32, #tpu.memory_space<hbm>>
      %dma_start3A_165 = tpu.memref_squeeze %dma_start3A_164 : memref<1x10x16xf32, #tpu.memory_space<hbm>> -> memref<10x16xf32, #tpu.memory_space<hbm>>
      %dma_start3A_166 = arith.constant 0 : i32
      %dma_start3A_167 = arith.constant 0 : i32
      %dma_start3A_168 = tpu.memref_slice %arg4[%add3A, %dma_start3A_166, %dma_start3A_167] : memref<32x10x16xf32, #tpu.memory_space<hbm>> -> memref<1x10x16xf32, #tpu.memory_space<hbm>>
      %dma_start3A_169 = tpu.memref_squeeze %dma_start3A_168 : memref<1x10x16xf32, #tpu.memory_space<hbm>> -> memref<10x16xf32, #tpu.memory_space<hbm>>
      tpu.enqueue_dma source(%arg9 : memref<10x16xf32, #tpu.memory_space<vmem>>) target(%dma_start3A_169 : memref<10x16xf32, #tpu.memory_space<hbm>>) target_semaphore(%run_scoped3A : memref<!tpu.dma_semaphore, #tpu.memory_space<semaphore_mem>>)
      %dma_wait3A_170 = arith.constant 0 : i32
      %dma_wait3A_171 = arith.constant 0 : i32
      %dma_wait3A_172 = tpu.memref_slice %arg4[%add3A, %dma_wait3A_170, %dma_wait3A_171] : memref<32x10x16xf32, #tpu.memory_space<hbm>> -> memref<1x10x16xf32, #tpu.memory_space<hbm>>
      %dma_wait3A_173 = tpu.memref_squeeze %dma_wait3A_172 : memref<1x10x16xf32, #tpu.memory_space<hbm>> -> memref<10x16xf32, #tpu.memory_space<hbm>>
      %dma_wait3A_174 = arith.constant 0 : i32
      %dma_wait3A_175 = arith.constant 0 : i32
      %dma_wait3A_176 = tpu.memref_slice %arg4[%add3A, %dma_wait3A_174, %dma_wait3A_175] : memref<32x10x16xf32, #tpu.memory_space<hbm>> -> memref<1x10x16xf32, #tpu.memory_space<hbm>>
      %dma_wait3A_177 = tpu.memref_squeeze %dma_wait3A_176 : memref<1x10x16xf32, #tpu.memory_space<hbm>> -> memref<10x16xf32, #tpu.memory_space<hbm>>
      tpu.wait_dma2 semaphore(%run_scoped3A : memref<!tpu.dma_semaphore, #tpu.memory_space<semaphore_mem>>) src(%arg9 : memref<10x16xf32, #tpu.memory_space<vmem>>) dst(%dma_wait3A_177 : memref<10x16xf32, #tpu.memory_space<hbm>>)
      tpu.yield
    }) : () -> ()
    return
  }
}

module attributes {stable_mosaic.version = 14 : i64} {
  func.func @_finish_body(%arg0: memref<32x10x16xf32, #tpu.memory_space<vmem>>, %arg1: memref<8x10x128xf32, #tpu.memory_space<vmem>>, %arg2: memref<1x1xf32, #tpu.memory_space<vmem>>) attributes {dimension_semantics = [], scalar_prefetch = 0 : i64, scratch_operands = 0 : i64, tpu.core_type = #tpu.core_type<tc>} {
    %get3A = arith.constant 0 : index
    %get3A_0 = arith.constant 0 : index
    %get3A_1 = arith.constant 0 : index
    %get3A_2 = vector.load %arg0[%get3A, %get3A_0, %get3A_1] : memref<32x10x16xf32, #tpu.memory_space<vmem>>, vector<32x10x16xf32>
    %reduce_sum3A = arith.constant dense<0.000000e+00> : vector<10x16xf32>
    %reduce_sum3A_3 = vector.multi_reduction <add>, %get3A_2, %reduce_sum3A [0] : vector<32x10x16xf32> to vector<10x16xf32>
    %reduce_sum3A_4 = arith.constant dense<0.000000e+00> : vector<10xf32>
    %reduce_sum3A_5 = vector.multi_reduction <add>, %reduce_sum3A_3, %reduce_sum3A_4 [1] : vector<10x16xf32> to vector<10xf32>
    %broadcast_in_dim3A = vector.shape_cast %reduce_sum3A_5 : vector<10xf32> to vector<10x1xf32>
    %get3A_6 = arith.constant 0 : index
    %get3A_7 = arith.constant 0 : index
    %get3A_8 = arith.constant 0 : index
    %get3A_9 = vector.load %arg1[%get3A_6, %get3A_7, %get3A_8] : memref<8x10x128xf32, #tpu.memory_space<vmem>>, vector<8x10x128xf32>
    %reduce_sum3A_10 = arith.constant dense<0.000000e+00> : vector<10x128xf32>
    %reduce_sum3A_11 = vector.multi_reduction <add>, %get3A_9, %reduce_sum3A_10 [0] : vector<8x10x128xf32> to vector<10x128xf32>
    %reduce_sum3A_12 = arith.constant dense<0.000000e+00> : vector<10xf32>
    %reduce_sum3A_13 = vector.multi_reduction <add>, %reduce_sum3A_11, %reduce_sum3A_12 [1] : vector<10x128xf32> to vector<10xf32>
    %broadcast_in_dim3A_14 = vector.shape_cast %reduce_sum3A_13 : vector<10xf32> to vector<10x1xf32>
    %add3A = arith.addf %broadcast_in_dim3A, %broadcast_in_dim3A_14 : vector<10x1xf32>
    %abs3A = math.absf %add3A : vector<10x1xf32>
    %reduce_sum3A_15 = vector.shape_cast %abs3A : vector<10x1xf32> to vector<1x10x1xf32>
    %reduce_sum3A_16 = arith.constant dense<0.000000e+00> : vector<1xf32>
    %reduce_sum3A_17 = vector.multi_reduction <add>, %reduce_sum3A_15, %reduce_sum3A_16 [1, 2] : vector<1x10x1xf32> to vector<1xf32>
    %reduce_sum3A_18 = vector.shape_cast %reduce_sum3A_17 : vector<1xf32> to vector<1x1x1xf32>
    %reduce_sum3A_19 = vector.extract %reduce_sum3A_18[0, 0, 0] : f32 from vector<1x1x1xf32>
    %mul3A = arith.constant 1.1920929E-7 : f32
    %mul3A_20 = arith.mulf %reduce_sum3A_19, %mul3A : f32
    %reshape3A = vector.broadcast %mul3A_20 : f32 to vector<1x1xf32>
    %swap3A = arith.constant 0 : index
    %swap3A_21 = arith.constant 0 : index
    %swap3A_22 = vector.load %arg2[%swap3A, %swap3A_21] : memref<1x1xf32, #tpu.memory_space<vmem>>, vector<1x1xf32>
    tpu.vector_store %arg2[%swap3A, %swap3A_21], %reshape3A {strides = array<i32>} : memref<1x1xf32, #tpu.memory_space<vmem>>, vector<1x1xf32>,
    return
  }
}

module attributes {stable_mosaic.version = 14 : i64} {
  func.func @_tc_body(%arg0: i32, %arg1: memref<4096x128xf32, #tpu.memory_space<vmem>>, %arg2: memref<4096x128xf32, #tpu.memory_space<vmem>>, %arg3: memref<1x10x128xf32, #tpu.memory_space<vmem>>) attributes {dimension_semantics = [#tpu.dimension_semantics<arbitrary>], iteration_bounds = array<i64: 8>, scalar_prefetch = 0 : i64, scratch_operands = 0 : i64, tpu.core_type = #tpu.core_type<tc>, window_params = [{transform_indices = @transform_0, window_bounds = array<i64: 4096, 128>}, {transform_indices = @transform_1, window_bounds = array<i64: 4096, 128>}, {transform_indices = @transform_2, window_bounds = array<i64: 1, 10, 128>}]} {
    %get3A = arith.constant 0 : index
    %get3A_0 = arith.constant 0 : index
    %get3A_1 = vector.load %arg1[%get3A, %get3A_0] : memref<4096x128xf32, #tpu.memory_space<vmem>>, vector<4096x128xf32>
    %get3A_2 = arith.constant 0 : index
    %get3A_3 = arith.constant 0 : index
    %get3A_4 = vector.load %arg2[%get3A_2, %get3A_3] : memref<4096x128xf32, #tpu.memory_space<vmem>>, vector<4096x128xf32>
    %mul3A = arith.constant 9.99999904 : f32
    %mul3A_5 = vector.broadcast %mul3A : f32 to vector<4096x128xf32>
    %mul3A_6 = arith.mulf %get3A_1, %mul3A_5 : vector<4096x128xf32>
    %convert_element_type3A = arith.fptosi %mul3A_6 : vector<4096x128xf32> to vector<4096x128xi32>
    %sub3A = arith.subf %get3A_1, %get3A_4 : vector<4096x128xf32>
    %eq3A = arith.constant 0 : i32
    %eq3A_7 = vector.broadcast %eq3A : i32 to vector<4096x128xi32>
    %eq3A_8 = arith.cmpi eq, %convert_element_type3A, %eq3A_7 : vector<4096x128xi32>
    %jit3A = arith.constant 0.000000e+00 : f32
    %broadcast_in_dim3A = vector.broadcast %jit3A : f32 to vector<4096x128xf32>
    %select_n3A = arith.select %eq3A_8, %sub3A, %broadcast_in_dim3A : vector<4096x128xi1>, vector<4096x128xf32>
    %reduce_sum3A = arith.constant dense<0.000000e+00> : vector<128xf32>
    %reduce_sum3A_9 = vector.multi_reduction <add>, %select_n3A, %reduce_sum3A [0] : vector<4096x128xf32> to vector<128xf32>
    %eq3A_10 = arith.constant 1 : i32
    %eq3A_11 = vector.broadcast %eq3A_10 : i32 to vector<4096x128xi32>
    %eq3A_12 = arith.cmpi eq, %convert_element_type3A, %eq3A_11 : vector<4096x128xi32>
    %jit3A_13 = arith.constant 0.000000e+00 : f32
    %broadcast_in_dim3A_14 = vector.broadcast %jit3A_13 : f32 to vector<4096x128xf32>
    %select_n3A_15 = arith.select %eq3A_12, %sub3A, %broadcast_in_dim3A_14 : vector<4096x128xi1>, vector<4096x128xf32>
    %reduce_sum3A_16 = arith.constant dense<0.000000e+00> : vector<128xf32>
    %reduce_sum3A_17 = vector.multi_reduction <add>, %select_n3A_15, %reduce_sum3A_16 [0] : vector<4096x128xf32> to vector<128xf32>
    %eq3A_18 = arith.constant 2 : i32
    %eq3A_19 = vector.broadcast %eq3A_18 : i32 to vector<4096x128xi32>
    %eq3A_20 = arith.cmpi eq, %convert_element_type3A, %eq3A_19 : vector<4096x128xi32>
    %jit3A_21 = arith.constant 0.000000e+00 : f32
    %broadcast_in_dim3A_22 = vector.broadcast %jit3A_21 : f32 to vector<4096x128xf32>
    %select_n3A_23 = arith.select %eq3A_20, %sub3A, %broadcast_in_dim3A_22 : vector<4096x128xi1>, vector<4096x128xf32>
    %reduce_sum3A_24 = arith.constant dense<0.000000e+00> : vector<128xf32>
    %reduce_sum3A_25 = vector.multi_reduction <add>, %select_n3A_23, %reduce_sum3A_24 [0] : vector<4096x128xf32> to vector<128xf32>
    %eq3A_26 = arith.constant 3 : i32
    %eq3A_27 = vector.broadcast %eq3A_26 : i32 to vector<4096x128xi32>
    %eq3A_28 = arith.cmpi eq, %convert_element_type3A, %eq3A_27 : vector<4096x128xi32>
    %jit3A_29 = arith.constant 0.000000e+00 : f32
    %broadcast_in_dim3A_30 = vector.broadcast %jit3A_29 : f32 to vector<4096x128xf32>
    %select_n3A_31 = arith.select %eq3A_28, %sub3A, %broadcast_in_dim3A_30 : vector<4096x128xi1>, vector<4096x128xf32>
    %reduce_sum3A_32 = arith.constant dense<0.000000e+00> : vector<128xf32>
    %reduce_sum3A_33 = vector.multi_reduction <add>, %select_n3A_31, %reduce_sum3A_32 [0] : vector<4096x128xf32> to vector<128xf32>
    %eq3A_34 = arith.constant 4 : i32
    %eq3A_35 = vector.broadcast %eq3A_34 : i32 to vector<4096x128xi32>
    %eq3A_36 = arith.cmpi eq, %convert_element_type3A, %eq3A_35 : vector<4096x128xi32>
    %jit3A_37 = arith.constant 0.000000e+00 : f32
    %broadcast_in_dim3A_38 = vector.broadcast %jit3A_37 : f32 to vector<4096x128xf32>
    %select_n3A_39 = arith.select %eq3A_36, %sub3A, %broadcast_in_dim3A_38 : vector<4096x128xi1>, vector<4096x128xf32>
    %reduce_sum3A_40 = arith.constant dense<0.000000e+00> : vector<128xf32>
    %reduce_sum3A_41 = vector.multi_reduction <add>, %select_n3A_39, %reduce_sum3A_40 [0] : vector<4096x128xf32> to vector<128xf32>
    %eq3A_42 = arith.constant 5 : i32
    %eq3A_43 = vector.broadcast %eq3A_42 : i32 to vector<4096x128xi32>
    %eq3A_44 = arith.cmpi eq, %convert_element_type3A, %eq3A_43 : vector<4096x128xi32>
    %jit3A_45 = arith.constant 0.000000e+00 : f32
    %broadcast_in_dim3A_46 = vector.broadcast %jit3A_45 : f32 to vector<4096x128xf32>
    %select_n3A_47 = arith.select %eq3A_44, %sub3A, %broadcast_in_dim3A_46 : vector<4096x128xi1>, vector<4096x128xf32>
    %reduce_sum3A_48 = arith.constant dense<0.000000e+00> : vector<128xf32>
    %reduce_sum3A_49 = vector.multi_reduction <add>, %select_n3A_47, %reduce_sum3A_48 [0] : vector<4096x128xf32> to vector<128xf32>
    %eq3A_50 = arith.constant 6 : i32
    %eq3A_51 = vector.broadcast %eq3A_50 : i32 to vector<4096x128xi32>
    %eq3A_52 = arith.cmpi eq, %convert_element_type3A, %eq3A_51 : vector<4096x128xi32>
    %jit3A_53 = arith.constant 0.000000e+00 : f32
    %broadcast_in_dim3A_54 = vector.broadcast %jit3A_53 : f32 to vector<4096x128xf32>
    %select_n3A_55 = arith.select %eq3A_52, %sub3A, %broadcast_in_dim3A_54 : vector<4096x128xi1>, vector<4096x128xf32>
    %reduce_sum3A_56 = arith.constant dense<0.000000e+00> : vector<128xf32>
    %reduce_sum3A_57 = vector.multi_reduction <add>, %select_n3A_55, %reduce_sum3A_56 [0] : vector<4096x128xf32> to vector<128xf32>
    %eq3A_58 = arith.constant 7 : i32
    %eq3A_59 = vector.broadcast %eq3A_58 : i32 to vector<4096x128xi32>
    %eq3A_60 = arith.cmpi eq, %convert_element_type3A, %eq3A_59 : vector<4096x128xi32>
    %jit3A_61 = arith.constant 0.000000e+00 : f32
    %broadcast_in_dim3A_62 = vector.broadcast %jit3A_61 : f32 to vector<4096x128xf32>
    %select_n3A_63 = arith.select %eq3A_60, %sub3A, %broadcast_in_dim3A_62 : vector<4096x128xi1>, vector<4096x128xf32>
    %reduce_sum3A_64 = arith.constant dense<0.000000e+00> : vector<128xf32>
    %reduce_sum3A_65 = vector.multi_reduction <add>, %select_n3A_63, %reduce_sum3A_64 [0] : vector<4096x128xf32> to vector<128xf32>
    %eq3A_66 = arith.constant 8 : i32
    %eq3A_67 = vector.broadcast %eq3A_66 : i32 to vector<4096x128xi32>
    %eq3A_68 = arith.cmpi eq, %convert_element_type3A, %eq3A_67 : vector<4096x128xi32>
    %jit3A_69 = arith.constant 0.000000e+00 : f32
    %broadcast_in_dim3A_70 = vector.broadcast %jit3A_69 : f32 to vector<4096x128xf32>
    %select_n3A_71 = arith.select %eq3A_68, %sub3A, %broadcast_in_dim3A_70 : vector<4096x128xi1>, vector<4096x128xf32>
    %reduce_sum3A_72 = arith.constant dense<0.000000e+00> : vector<128xf32>
    %reduce_sum3A_73 = vector.multi_reduction <add>, %select_n3A_71, %reduce_sum3A_72 [0] : vector<4096x128xf32> to vector<128xf32>
    %eq3A_74 = arith.constant 9 : i32
    %eq3A_75 = vector.broadcast %eq3A_74 : i32 to vector<4096x128xi32>
    %eq3A_76 = arith.cmpi eq, %convert_element_type3A, %eq3A_75 : vector<4096x128xi32>
    %jit3A_77 = arith.constant 0.000000e+00 : f32
    %broadcast_in_dim3A_78 = vector.broadcast %jit3A_77 : f32 to vector<4096x128xf32>
    %select_n3A_79 = arith.select %eq3A_76, %sub3A, %broadcast_in_dim3A_78 : vector<4096x128xi1>, vector<4096x128xf32>
    %reduce_sum3A_80 = arith.constant dense<0.000000e+00> : vector<128xf32>
    %reduce_sum3A_81 = vector.multi_reduction <add>, %select_n3A_79, %reduce_sum3A_80 [0] : vector<4096x128xf32> to vector<128xf32>
    %stack3A = vector.shape_cast %reduce_sum3A_9 : vector<128xf32> to vector<1x128xf32>
    %stack3A_82 = vector.shape_cast %reduce_sum3A_17 : vector<128xf32> to vector<1x128xf32>
    %stack3A_83 = vector.shape_cast %reduce_sum3A_25 : vector<128xf32> to vector<1x128xf32>
    %stack3A_84 = vector.shape_cast %reduce_sum3A_33 : vector<128xf32> to vector<1x128xf32>
    %stack3A_85 = vector.shape_cast %reduce_sum3A_41 : vector<128xf32> to vector<1x128xf32>
    %stack3A_86 = vector.shape_cast %reduce_sum3A_49 : vector<128xf32> to vector<1x128xf32>
    %stack3A_87 = vector.shape_cast %reduce_sum3A_57 : vector<128xf32> to vector<1x128xf32>
    %stack3A_88 = vector.shape_cast %reduce_sum3A_65 : vector<128xf32> to vector<1x128xf32>
    %stack3A_89 = vector.shape_cast %reduce_sum3A_73 : vector<128xf32> to vector<1x128xf32>
    %stack3A_90 = vector.shape_cast %reduce_sum3A_81 : vector<128xf32> to vector<1x128xf32>
    %stack3A_91 = tpu.concatenate %stack3A, %stack3A_82, %stack3A_83, %stack3A_84, %stack3A_85, %stack3A_86, %stack3A_87, %stack3A_88, %stack3A_89, %stack3A_90 in 0 : vector<1x128xf32>, vector<1x128xf32>, vector<1x128xf32>, vector<1x128xf32>, vector<1x128xf32>, vector<1x128xf32>, vector<1x128xf32>, vector<1x128xf32>, vector<1x128xf32>, vector<1x128xf32> -> vector<10x128xf32>
    %reshape3A = vector.shape_cast %stack3A_91 : vector<10x128xf32> to vector<1x10x128xf32>
    %swap3A = arith.constant 0 : index
    %swap3A_92 = arith.constant 0 : index
    %swap3A_93 = arith.constant 0 : index
    %swap3A_94 = vector.load %arg3[%swap3A, %swap3A_92, %swap3A_93] : memref<1x10x128xf32, #tpu.memory_space<vmem>>, vector<1x10x128xf32>
    tpu.vector_store %arg3[%swap3A, %swap3A_92, %swap3A_93], %reshape3A {strides = array<i32>} : memref<1x10x128xf32, #tpu.memory_space<vmem>>, vector<1x10x128xf32>,
    return
  }
  func.func @transform_0(%arg0: i32) -> (i32, i32) {
    %add3A = arith.constant 8 : i32
    %add3A_0 = arith.addi %add3A, %arg0 : i32
    %c0_i32 = arith.constant 0 : i32
    %c0_i32_1 = arith.constant 0 : i32
    return %add3A_0, %c0_i32 : i32, i32
  }
  func.func @transform_1(%arg0: i32) -> (i32, i32) {
    %add3A = arith.constant 8 : i32
    %add3A_0 = arith.addi %add3A, %arg0 : i32
    %c0_i32 = arith.constant 0 : i32
    %c0_i32_1 = arith.constant 0 : i32
    return %add3A_0, %c0_i32 : i32, i32
  }
  func.func @transform_2(%arg0: i32) -> (i32, i32, i32) {
    %c0_i32 = arith.constant 0 : i32
    %c0_i32_0 = arith.constant 0 : i32
    %c0_i32_1 = arith.constant 0 : i32
    return %arg0, %c0_i32, %c0_i32_0 : i32, i32, i32
  }
}

</mosaic_0001>

<sc_bundles>
// kernel: kernel.5.cloned.1.call-start
scs
__scs_entry_jumppad:
0x0: {  	(pc) =	sbr.rel $0x88, $3  }
0x1: {  	(tag) =	ssettag $0x0;
	lr =	simm.s32 $0x1  }
0x2: {  	[smem:$0x3F9F] =	sst lr;
	_ =	strace $0xD0000000  }
0x3: {  	_ = 	snop  }
0x4: {  	_ = 	snop  }
0x5: {  	_ = 	snop  }
0x6: {  	_ = 	snop  }
0x7: {  	_ = 	snop  }
__scs_overlays_trampoline_lowered:
0x8: {  	[smem:$0x3FAE] =	sst s0  }
0x9: {  	[smem:$0x3FAF] =	sst s1  }
0xa: {  	[smem:$0x3FB0] =	sst s2  }
0xb: {  	[smem:$0x3FB1] =	sst s3  }
0xc: {  	[smem:$0x3FB2] =	sst s4  }
0xd: {  	[smem:$0x3FB3] =	sst s5  }
0xe: {  	[smem:$0x3FB4] =	sst s6  }
0xf: {  	[smem:$0x3FB5] =	sst s7  }
0x10: {  	[smem:$0x3FB6] =	sst s8  }
0x11: {  	[smem:$0x3FB7] =	sst s9;
	s0 =	simm.s32 @!p0 $0x0  }
0x12: {  	s1 =	sld [smem:$0x3F9D];
	s0 =	simm.s32 @p0 $0x1  }
0x13: {  	[smem:$0x3FB8] =	sst s0;
	s0 =	simm.s32 @!p1 $0x0  }
0x14: {  	s2 =	sld [smem:$0x3F9C];
	s0 =	simm.s32 @p1 $0x1  }
0x15: {  	[smem:$0x3FB9] =	sst s0;
	s0 =	simm.s32 @!p2 $0x0  }
0x16: {  	s3 =	sld [smem:$0x3FDB];
	s0 =	simm.s32 @p2 $0x1  }
0x17: {  	s4 =	simm.s32 $0x1BF5;
	[smem:$0x3FBB] =	sst s0  }
0x18: {  	s0 =	sld [smem:$0x3F9E];
	_ =	swait.ge [sflag:s4], $0x0  }
0x19: {  	s7 =	sld [smem:$0x3F9F]  }
0x1a: {  	s8 =	sadd.s32 $0xFFFFE003, lr  }
0x1b: {  	s9 =	sadd.s32 $0xFFFFFEF7, lr;
	s5 =	simm.s32 $0xFFFFFFFF;
	p2 =	slt.u32 s8, $0xFFFFF086  }
0x1c: {  	p1 =	slt.u32 s9, $0xF7A;
	s5 =	simm.s32 @!p2 $0x0  }
0x1d: {  	s5 =	simm.s32 @p1 $0x1;
	p0 =	seq.s32 s7, s2  }
0x1e: {  	s7 =	smul.u32 @!p0 $0xF7A, s2;
	p2 =	seq.s32 @!p0 s5, $0x0  }
0x1f: {  	s9 =	smul.u32 $0xF7A, s1;
	s8 =	simm.s32 @!p0 $0x1BF5;
	p2 =	por !p2, p0  }
0x20: {  	[sflag:s8] =	ssyncset.s32 @!p0 $0xFFFFF086;
	s6 =	sadd.s32 @!p0 s3, s7;
	s7 =	simm.s32 @!p0 $0x108  }
0x21: {  	s3 =	sadd.s32 s3, s9;
	s6 =	sadd.s32 @!p0 $0x88, s6;
	s7 =	simm.s32 @p2 $0x1082  }
0x22: {  	[simem:s7], [sflag:s8] =	dma.local @!p0 [hbm:s6], $0xF7A  }
0x23: {  	s9 =	sor.u32 $0xD0000000, s2;
	s6 =	simm.s32 $0x108;
	_ =	swait.ge @!p0 [sflag:s8], $0x0  }
0x24: {  	s3 =	sadd.s32 $0x88, s3;
	s6 =	simm.s32 @!p1 $0x1082;
	[sflag:s4] =	ssyncset.s32 $0xFFFFF086  }
0x25: {  	[simem:s6], [sflag:s4] =	dma.local [hbm:s3], $0xF7A  }
0x26: {  	[smem:$0x3F9F] =	sst s1;
	(tag) =	ssettag s2;
	_ =	strace s9  }
0x27: {  	s1 =	sld [smem:$0x3FAF]  }
0x28: {  	s2 =	sld [smem:$0x3FB0]  }
0x29: {  	s4 =	sld [smem:$0x3FB2]  }
0x2a: {  	p0 =	seq.s32 s5, $0x0;
	s5 =	sld [smem:$0x3FB3]  }
0x2b: {  	s6 =	sld [smem:$0x3FB4]  }
0x2c: {  	s7 =	sld [smem:$0x3FB5]  }
0x2d: {  	s3 =	simm.s32 $0x108;
	s8 =	sld [smem:$0x3FB6]  }
0x2e: {  	s3 =	simm.s32 @!p0 $0x1082;
	s9 =	sld [smem:$0x3FB7]  }
0x2f: {  	lr =	sadd.s32 s0, s3;
	s0 =	sld [smem:$0x3FAE]  }
0x30: {  	s3 =	sld [smem:$0x3FB1]  }
0x31: {  	[smem:$0x3FBA] =	sst s10  }
0x32: {  	s10 =	sld [smem:$0x3FB8];
	_ =	sdelay $0x3  }
0x33: {  	p0 =	seq.s32 s10, $0x1;
	s10 =	sld [smem:$0x3FBA];
	_ =	sdelay $0x3  }
0x34: {  	[smem:$0x3FBA] =	sst s10  }
0x35: {  	s10 =	sld [smem:$0x3FB9];
	_ =	sdelay $0x3  }
0x36: {  	p1 =	seq.s32 s10, $0x1;
	s10 =	sld [smem:$0x3FBA];
	_ =	sdelay $0x3  }
0x37: {  	[smem:$0x3FBA] =	sst s10  }
0x38: {  	s10 =	sld [smem:$0x3FBB]  }
0x39: {  	_ = 	snop;
	(pc) =	sbr.ind lr, $3  }
0x3a: {  	_ = 	snop  }
0x3b: {  	_ = 	snop  }
0x3c: {  	p2 =	seq.s32 s10, $0x1;
	s10 =	sld [smem:$0x3FBA]  }
0x3d: {  	_ =	shalt  }
0x3e: {  	_ =	shalt  }
0x3f: {  	_ =	shalt  }
0x40: {  	_ =	shalt  }
0x41: {  	_ =	shalt  }
0x42: {  	_ =	shalt  }
0x43: {  	_ =	shalt  }
0x44: {  	_ =	shalt  }
0x45: {  	_ =	shalt  }
0x46: {  	_ =	shalt  }
0x47: {  	_ =	shalt  }
0x48: {  	_ =	shalt  }
0x49: {  	_ =	shalt  }
0x4a: {  	_ =	shalt  }
0x4b: {  	_ =	shalt  }
0x4c: {  	_ =	shalt  }
0x4d: {  	_ =	shalt  }
0x4e: {  	_ =	shalt  }
0x4f: {  	_ =	shalt  }
0x50: {  	_ =	shalt  }
0x51: {  	_ =	shalt  }
0x52: {  	_ =	shalt  }
0x53: {  	_ =	shalt  }
0x54: {  	_ =	shalt  }
0x55: {  	_ =	shalt  }
0x56: {  	_ =	shalt  }
0x57: {  	_ =	shalt  }
0x58: {  	_ =	shalt  }
0x59: {  	_ =	shalt  }
0x5a: {  	_ =	shalt  }
0x5b: {  	_ =	shalt  }
0x5c: {  	_ =	shalt  }
0x5d: {  	_ =	shalt  }
0x5e: {  	_ =	shalt  }
0x5f: {  	_ =	shalt  }
0x60: {  	_ =	shalt  }
0x61: {  	_ =	shalt  }
0x62: {  	_ =	shalt  }
0x63: {  	_ =	shalt  }
0x64: {  	_ =	shalt  }
0x65: {  	_ =	shalt  }
0x66: {  	_ =	shalt  }
0x67: {  	_ =	shalt  }
0x68: {  	_ =	shalt  }
0x69: {  	_ =	shalt  }
0x6a: {  	_ =	shalt  }
0x6b: {  	_ =	shalt  }
0x6c: {  	_ =	shalt  }
0x6d: {  	_ =	shalt  }
0x6e: {  	_ =	shalt  }
0x6f: {  	_ =	shalt  }
0x70: {  	_ =	shalt  }
0x71: {  	_ =	shalt  }
0x72: {  	_ =	shalt  }
0x73: {  	_ =	shalt  }
0x74: {  	_ =	shalt  }
0x75: {  	_ =	shalt  }
0x76: {  	_ =	shalt  }
0x77: {  	_ =	shalt  }
0x78: {  	_ =	shalt  }
0x79: {  	_ =	shalt  }
0x7a: {  	_ =	shalt  }
0x7b: {  	_ =	shalt  }
0x7c: {  	_ =	shalt  }
0x7d: {  	_ =	shalt  }
0x7e: {  	_ =	shalt  }
0x7f: {  	_ =	shalt  }
0x80: {  	_ =	shalt  }
0x81: {  	_ =	shalt  }
0x82: {  	_ =	shalt  }
0x83: {  	_ =	shalt  }
0x84: {  	_ =	shalt  }
0x85: {  	_ =	shalt  }
0x86: {  	_ =	shalt  }
0x87: {  	_ =	shalt  }
.Lfunc_end0:
.L_simem_size_0:
called_computation_lowered:
.L_overlay_start_0:
0x88: {  	s2 =	sld [smem:$0x3FD9]  }
0x89: {  	s3 =	sld [smem:$0x3FFE];
	_ =	sdelay $0x1  }
0x8a: {  	s1 =	srdreg.scid  }
0x8b: {  	s0 =	sand.u32 $0x1, s1  }
0x8c: {  	s17 =	sshll.u32 s0, $0xA;
	s2 =	sadd.s32 s3, s2  }
0x8d: {  	s2 =	sadd.s32 s2, s17  }
0x8e: {  	[smem:$0x3FC6] =	sst s2  }
0x8f: {  	_ = 	snop  }
0x90: {  	s2 =	sld [smem:$0x3FC9]  }
0x91: {  	s18 =	sld [smem:$0x3FC8];
	(tm) =	ssettm $0x1  }
0x92: {  	s4 =	sld [smem:$0x3FFB];
	_ =	sdelay $0x3  }
0x93: {  	_ =	strace s4  }
0x94: {  	s4 =	sld [smem:$0x3FFC];
	_ =	sdelay $0x3  }
0x95: {  	_ =	strace s4  }
0x96: {  	s4 =	sld [smem:$0x3FFD];
	_ =	sdelay $0x3  }
0x97: {  	_ =	strace s4  }
0x98: {  	_ =	strace $0x8FFFFFFF  }
0x99: {  	s19 =	sld [smem:$0x3FDB];
	_ =	sdelay $0x1  }
0x9a: {  	s5 =	simm.s32 $_scs_section_size  }
0x9b: {  	s6 =	simm.s32 $_size__tile_overlayer_lowered;
	s7 =	simm.s32 $_tile_overlayer_lowered  }
0x9c: {  	s22 =	simm.s32 $0x1BFF;
	s21 =	sshll.u32 s7, $0x1;
	s4 =	sadd.s32 s5, s19  }
0x9d: {  	s8 =	simm.s32 $0x0;
	s20 =	sshll.u32 s6, $0x1;
	s6 =	sadd.s32 s21, s4  }
0x9e: {  	[timem:s8], [sflag:s22] =	dma.local [hbm:s6], s20  }
0x9f: {  	_ =	swait.ge [sflag:s22], s20  }
0xa0: {  	s5 =	ssub.s32 $0x0, s20;
	[sflag:s22] =	ssyncset.done $0x0  }
0xa1: {  	[sflag:s22] =	ssyncadd.s32 s5;
	_ =	sdelay $0x1  }
0xa2: {  	s23 =	simm.s32 $0x1B8B  }
0xa3: {  	_ =	swait.ge [sflag:s23], $0x1  }
0xa4: {  	[sflag:s23] =	ssyncset.done $0x0  }
0xa5: {  	s25 =	simm.s32 $0x1B8E;
	s24 =	sld [smem:$0x3FFE];
	[sflag:s23] =	ssyncadd.s32 $0xFFFFFFFF  }
0xa6: {  	s26 =	simm.s32 $execute0_lowered;
	[smem:$0x3FD2] =	sst s25  }
0xa7: {  	s6 =	sshll.u32 s26, $0x1;
	_ =	strace $0x80000046;
	[dreg:$0x1] =	wrdreg $0xFFFFFFFF  }
0xa8: {  	s28 =	simm.s32 $_size_execute0_lowered;
	s4 =	sadd.s32 s4, s6;
	[dreg:$0x0] =	wrdreg $0x0  }
0xa9: {  	s6 =	sshll.u32 s28, $0x1;
	[dreg:$0x2] =	wrdreg s4  }
0xaa: {  	[dreg:$0x3] =	wrdreg s6  }
0xab: {  	[dreg:$0x4] =	wrdreg $0xC0  }
0xac: {  	_ =	task [dreg:s8], $0x5FFFF  }
0xad: {  	[dreg:$0x1] =	wrdreg $0xFFFFFFFF  }
0xae: {  	[dreg:$0x0] =	wrdreg $0x60  }
0xaf: {  	[dreg:$0x2] =	wrdreg s2  }
0xb0: {  	[dreg:$0x3] =	wrdreg s18  }
0xb1: {  	[dreg:$0x4] =	wrdreg s24  }
0xb2: {  	[dreg:$0x5] =	wrdreg $0x9  }
0xb3: {  	_ =	task.clear_ibuf [dreg:s8], $0x6FFFF;
	_ =	strace $0x90000046  }
0xb4: {  	s29 =	simm.s32 $0x9;
	_ =	strace $0x80000048  }
0xb5: {  	_ =	swait.ge [sflag:s29], $0x1  }
0xb6: {  	[sflag:s29] =	ssyncadd.s32 $0xFFFFFFFF  }
0xb7: {  	_ =	strace $0x90000048  }
0xb8: {  	_ =	sfence  }
0xb9: {  	s30 =	sld [smem:$0x0];
	_ =	sdelay $0x2  }
0xba: {  	s31 =	sshll.u32 s1, $0xD;
	s1 =	sshrl.u32 s1, $0x2  }
0xbb: {  	s3 =	sand.u32 $0x4000, s31;
	s1 =	sadd.s32 s1, s30  }
0xbc: {  	s0 =	sor.u32 s3, s0;
	s1 =	sshll.u32 s1, $0x11  }
0xbd: {  	s0 =	sor.u32 s1, s0  }
0xbe: {  	s0 =	sadd.s32 $0x8F2B, s0  }
0xbf: {  	[sflag:s0] =	ssyncadd.remote.s32 $0x1  }
0xc0: {  	_ =	sfence.sel $0xFFFF  }
0xc1: {  	[dreg:$0x0] =	wrdreg $0xFFFFFFFF;
	(pc) =	sbr.abs _section_cstart, $3  }
0xc2: {  	[dreg:$0x1] =	wrdreg $0xFFFFFFFF  }
0xc3: {  	_ =	task.clear_ibuf [dreg:s8], $0x2FFFF;
	_ =	strace $0x9FFFFFFF  }
0xc4: {  	(tm) =	ssettm $0x7FFFFFFF  }
0xc5: {  	_ =	shalt  }
tec
execute0_lowered:
.L_overlay_start_1:
0x0: {  	(tag) =	ssettag $0x1  }
0x1: {  	s0 =	rddreg [dreg:$0x0]  }
0x2: {  	s18 =	rddreg [dreg:$0x1]  }
0x3: {  	s3 =	rddreg [dreg:$0x2]  }
0x4: {  	s4 =	srdreg.scid;
	s1 =	stileid.u32  }
0x5: {  	s2 =	simm.s32 $0x0;
	s22 =	simm.s32 $0x8000;
	s23 =	simm.s32 $0xC000  }
0x6: {  	s24 =	simm.s32 $0x1;
	s25 =	simm.s32 $0x10000;
	s26 =	simm.s32 $0x2  }
0x7: {  	s28 =	simm.s32 $0x3;
	s4 =	sand.u32 $0x1, s4;
	s5 =	sshll.u32 s1, $0x1  }
0x8: {  	s29 =	simm.s32 $0x0;
	[smem:$0x7FF] =	sst s2;
	s5 =	sor.u32 s4, s5  }
0x9: {  	s4 =	ssub.s32 $0x2, s4;
	_ =	strace $0x80000047;
	s6 =	sshll.u32 s5, $0x8  }
0xa: {  	s7 =	sshrl.u32 s4, $0x1;
	s17 =	sshll.u32 s5, $0xE;
	s19 =	sadd.s32 s6, s3  }
0xb: {  	s20 =	ssub.s32 s4, s7;
	s3 =	sadd.s32 s0, s17;
	s4 =	sadd.s32 s18, s17  }
0xc: {  	s31 =	sor.u32 $0x800, s17;
	s8 =	sor.u32 $0x1000, s17;
	s10 =	sor.u32 $0x1800, s17  }
0xd: {  	s12 =	sor.u32 $0x2000, s17;
	s14 =	sor.u32 $0x2800, s17;
	s16 =	sor.u32 $0x3000, s17  }
0xe: {  	s21 =	sor.u32 $0x3800, s17;
	s5 =	sadd.s32 s0, s31;
	s6 =	sadd.s32 s18, s31  }
0xf: {  	s7 =	sadd.s32 s0, s8;
	s8 =	sadd.s32 s18, s8;
	s9 =	sadd.s32 s0, s10  }
0x10: {  	s10 =	sadd.s32 s18, s10;
	s11 =	sadd.s32 s0, s12;
	s12 =	sadd.s32 s18, s12  }
0x11: {  	s13 =	sadd.s32 s0, s14;
	s14 =	sadd.s32 s18, s14;
	s15 =	sadd.s32 s0, s16  }
0x12: {  	s16 =	sadd.s32 s18, s16;
	s17 =	sadd.s32 s0, s21;
	s18 =	sadd.s32 s18, s21  }
0x13: {  	v0 =	vimm.f32 $0.0e+00;
	v1 =	vlaneseq.u32;
	s19 =	sadd.s32 $0x600, s19;
	s20 =	smax.u32 s20, $0x1;
	s21 =	simm.s32 $0x4000  }
.LBB2_1:
0x14: {  	[tilespmem:$0x10000] =	vst v0  }
0x15: {  	[tilespmem:$0x10080] =	vst v0  }
0x16: {  	[tilespmem:$0x10100] =	vst v0  }
0x17: {  	[tilespmem:$0x10180] =	vst v0  }
0x18: {  	[tilespmem:$0x10200] =	vst v0  }
0x19: {  	[tilespmem:$0x10280] =	vst v0  }
0x1a: {  	[tilespmem:$0x10300] =	vst v0  }
0x1b: {  	[tilespmem:$0x10380] =	vst v0  }
0x1c: {  	[tilespmem:$0x10400] =	vst v0  }
0x1d: {  	[tilespmem:$0x10480] =	vst v0  }
0x1e: {  	[tilespmem:s2], [sflag:$0x1] =	stream.linear.gather [hbm4b:s3+s2], $0x4000, $0x38;
	[tilespmem:$0x10800] =	vst v63  }
0x1f: {  	_ = 	snop  }
0x20: {  	[tilespmem:s21], [sflag:$0x1] =	stream.linear.gather [hbm4b:s4+s2], $0x4000, $0x38;
	[tilespmem:$0x10800] =	vst v63  }
0x21: {  	_ = 	snop  }
0x22: {  	[tilespmem:s22], [sflag:$0x2] =	stream.linear.gather [hbm4b:s5+s2], $0x4000, $0x38;
	[tilespmem:$0x10800] =	vst v63  }
0x23: {  	_ = 	snop  }
0x24: {  	[tilespmem:s23], [sflag:$0x2] =	stream.linear.gather [hbm4b:s6+s2], $0x4000, $0x38;
	[tilespmem:$0x10800] =	vst v63  }
0x25: {  	_ =	swait.ge [sflag:s24], $0x4000  }
0x26: {  	[sflag:s24] =	ssyncset.done $0x0  }
0x27: {  	[sflag:s24] =	ssyncadd.s32 $0xFFFFC000  }
0x28: {  	_ =	swait.ge [sflag:s24], $0x4000  }
0x29: {  	[sflag:s24] =	ssyncset.done $0x0  }
0x2a: {  	s0 =	simm.s32 $0x40;
	[sflag:s24] =	ssyncadd.s32 $0xFFFFC000  }
0x2b: {  	v5 =	vld [tilespmem:s0+$0x20];
	_ =	sdelay $0x1  }
0x2c: {  	v7 =	vld [tilespmem:s0+$0x30]  }
0x2d: {  	s30 =	simm.s32 $0x4040;
	v4 =	vld [tilespmem:s0+$0xFFFFFFC0]  }
0x2e: {  	v6 =	vld [tilespmem:s30+$0xFFFFFFC0]  }
0x2f: {  	v3 =	vld [tilespmem:s0+$0x0];
	v8 =	vmul.f32 $9.999999040e+00, v5  }
0x30: {  	v2 =	vld [tilespmem:s0+$0xFFFFFFD0]  }
0x31: {  	v12 =	vld [tilespmem:s30+$0x20];
	v10 =	vmul.f32 $9.999999040e+00, v7;
	v8 =	vtrunc.f32 v8  }
0x32: {  	v9 =	vld [tilespmem:s0+$0xFFFFFFE0];
	v8 =	vcvt.f32.s32 v8  }
0x33: {  	v13 =	vld [tilespmem:s0+$0xFFFFFFF0];
	v11 =	vmul.f32 $9.999999040e+00, v4;
	v14 =	vsub.f32 v4, v6;
	v4 =	vtrunc.f32 v10  }
0x34: {  	v15 =	vld [tilespmem:s30+$0x30];
	v16 =	vmul.f32 $9.999999040e+00, v3;
	v4 =	vcvt.f32.s32 v4;
	v8 =	vshll.u32 v8, $0x7  }
0x35: {  	v6 =	vtrunc.f32 v11;
	v11 =	vmul.f32 $9.999999040e+00, v2;
	v8 =	vor.u32 v1, v8  }
0x36: {  	v19 =	vld [tilespmem:s30+$0xFFFFFFE0];
	v5 =	vsub.f32 v5, v12;
	v6 =	vcvt.f32.s32 v6;
	v18 =	vshll.u32 v4, $0x7  }
0x37: {  	v10 =	vmul.f32 $9.999999040e+00, v9;
	v11 =	vtrunc.f32 v11;
	v4 =	vld [tilespmem:s0+$0x10];
	v18 =	vor.u32 v1, v18  }
0x38: {  	v17 =	vld [tilespmem:s30+$0xFFFFFFF0];
	v12 =	vmul.f32 $9.999999040e+00, v13;
	v6 =	vshll.u32 v6, $0x7;
	v11 =	vcvt.f32.s32 v11  }
0x39: {  	v7 =	vsub.f32 v7, v15;
	v10 =	vtrunc.f32 v10;
	v21 =	vor.u32 v1, v6;
	v6 =	vld [tilespmem:s30+$0x10]  }
0x3a: {  	v20 =	vcvt.f32.s32 v10;
	v10 =	vtrunc.f32 v16;
	v11 =	vshll.u32 v11, $0x7;
	[tilespmem:v8+s25+$0x0] =	vst.idx.add.f32.msk $0xffff, v5  }
0x3b: {  	v8 =	vcvt.f32.s32 v10;
	v5 =	vor.u32 v1, v11;
	v11 =	vtrunc.f32 v12;
	v10 =	vld [tilespmem:s30+$0x0]  }
0x3c: {  	v9 =	vsub.f32 v9, v19;
	v63 =	vmul.f32 $9.999999040e+00, v4;
	[tilespmem:v18+s25+$0x0] =	vst.idx.add.f32.msk $0xffff, v7;
	v15 =	vcvt.f32.s32 v11  }
0x3d: {  	v12 =	vshll.u32 v20, $0x7;
	v11 =	vshll.u32 v8, $0x7;
	v8 =	vsub.f32 v13, v17;
	v13 =	vld [tilespmem:s30+$0xFFFFFFD0]  }
0x3e: {  	s31 =	simm.s32 $0x0;
	s0 =	simm.s32 $0xC0;
	[tilespmem:v21+s25+$0x0] =	vst.idx.add.f32.msk $0xffff, v14;
	v7 =	vor.u32 v1, v12;
	v14 =	vtrunc.f32 v63;
	v12 =	vshll.u32 v15, $0x7  }
.LBB2_2:
0x3f: {  	v15 =	vld [tilespmem:s0+$0x20];
	s31 =	sadd.s32 $0x8, s31;
	v14 =	vcvt.f32.s32 v14;
	s30 =	sadd.s32 $0x80, s30  }
0x40: {  	v16 =	vld [tilespmem:s30+$0x20];
	p0 =	slt.u32 s31, $0x3F8  }
0x41: {  	v17 =	vld [tilespmem:s30+$0xFFFFFFC0];
	v14 =	vshll.u32 v14, $0x7  }
0x42: {  	v11 =	vor.u32 v1, v11;
	v18 =	vld [tilespmem:s0+$0xFFFFFFC0];
	v13 =	vsub.f32 v2, v13;
	v14 =	vor.u32 v1, v14  }
0x43: {  	v10 =	vsub.f32 v3, v10;
	v19 =	vld [tilespmem:s0+$0x30]  }
0x44: {  	v2 =	vld [tilespmem:s0+$0xFFFFFFD0]  }
0x45: {  	v20 =	vld [tilespmem:s0+$0xFFFFFFE0]  }
0x46: {  	v12 =	vor.u32 v1, v12;
	v21 =	vld [tilespmem:s0+$0xFFFFFFF0]  }
0x47: {  	v4 =	vsub.f32 v4, v6;
	v23 =	vmul.f32 $9.999999040e+00, v15;
	v22 =	vmul.f32 $9.999999040e+00, v18;
	v3 =	vld [tilespmem:s0+$0x0]  }
0x48: {  	v17 =	vsub.f32 v18, v17;
	v6 =	vmul.f32 $9.999999040e+00, v19;
	[tilespmem:v11+s25+$0x0] =	vst.idx.add.f32.msk $0xffff, v10  }
0x49: {  	v11 =	vtrunc.f32 v23;
	v10 =	vtrunc.f32 v22;
	[tilespmem:v5+s25+$0x0] =	vst.idx.add.f32.msk $0xffff, v13  }
0x4a: {  	v5 =	vcvt.f32.s32 v11;
	v6 =	vtrunc.f32 v6;
	[tilespmem:v14+s25+$0x0] =	vst.idx.add.f32.msk $0xffff, v4  }
0x4b: {  	v4 =	vmul.f32 $9.999999040e+00, v20;
	v6 =	vcvt.f32.s32 v6;
	[tilespmem:v7+s25+$0x0] =	vst.idx.add.f32.msk $0xffff, v9  }
0x4c: {  	v7 =	vmul.f32 $9.999999040e+00, v2;
	v5 =	vshll.u32 v5, $0x7;
	v9 =	vmul.f32 $9.999999040e+00, v3;
	[tilespmem:v12+s25+$0x0] =	vst.idx.add.f32.msk $0xffff, v8  }
0x4d: {  	v8 =	vcvt.f32.s32 v10;
	v10 =	vtrunc.f32 v4;
	v11 =	vor.u32 v1, v5;
	v12 =	vld [tilespmem:s30+$0x30]  }
0x4e: {  	v14 =	vmul.f32 $9.999999040e+00, v21;
	v4 =	vtrunc.f32 v7;
	v5 =	vshll.u32 v6, $0x7;
	v13 =	vld [tilespmem:s30+$0xFFFFFFF0]  }
0x4f: {  	v6 =	vshll.u32 v8, $0x7;
	v7 =	vcvt.f32.s32 v4;
	v18 =	vor.u32 v1, v5;
	v4 =	vld [tilespmem:s0+$0x10]  }
0x50: {  	v8 =	vcvt.f32.s32 v10;
	v5 =	vtrunc.f32 v9;
	v9 =	vsub.f32 v15, v16;
	v22 =	vld [tilespmem:s30+$0xFFFFFFE0]  }
0x51: {  	v15 =	vor.u32 v1, v6;
	v16 =	vcvt.f32.s32 v5;
	v7 =	vshll.u32 v7, $0x7;
	v6 =	vld [tilespmem:s30+$0x10]  }
.Ltmp0:
0x52: {  	v5 =	vor.u32 v1, v7;
	v7 =	vshll.u32 v8, $0x7;
	[tilespmem:v11+s25+$0x0] =	vst.idx.add.f32.msk $0xffff, v9;
	v9 =	vsub.f32 v19, v12;
	(pc) =	sbr.rel @p0 .LBB2_2-.Ltmp0, $4  }
0x53: {  	v8 =	vtrunc.f32 v14;
	v7 =	vor.u32 v1, v7;
	v11 =	vshll.u32 v16, $0x7;
	v10 =	vld [tilespmem:s30+$0x0]  }
0x54: {  	v12 =	vcvt.f32.s32 v8;
	v8 =	vsub.f32 v21, v13;
	v14 =	vmul.f32 $9.999999040e+00, v4;
	[tilespmem:v18+s25+$0x0] =	vst.idx.add.f32.msk $0xffff, v9  }
0x55: {  	v13 =	vld [tilespmem:s30+$0xFFFFFFD0];
	v9 =	vsub.f32 v20, v22  }
0x56: {  	s0 =	sadd.s32 $0x80, s0;
	v12 =	vshll.u32 v12, $0x7;
	[tilespmem:v15+s25+$0x0] =	vst.idx.add.f32.msk $0xffff, v17;
	v14 =	vtrunc.f32 v14  }
0x57: {  	v14 =	vcvt.f32.s32 v14;
	v11 =	vor.u32 v1, v11;
	_ =	sdelay $0x1  }
0x58: {  	v3 =	vsub.f32 v3, v10;
	v10 =	vor.u32 v1, v12;
	v14 =	vshll.u32 v14, $0x7  }
0x59: {  	v14 =	vor.u32 v1, v14  }
0x5a: {  	[tilespmem:v7+s25+$0x0] =	vst.idx.add.f32.msk $0xffff, v9;
	v2 =	vsub.f32 v2, v13  }
0x5b: {  	[tilespmem:v11+s25+$0x0] =	vst.idx.add.f32.msk $0xffff, v3  }
0x5c: {  	v4 =	vsub.f32 v4, v6;
	[tilespmem:v5+s25+$0x0] =	vst.idx.add.f32.msk $0xffff, v2  }
0x5d: {  	[tilespmem:v10+s25+$0x0] =	vst.idx.add.f32.msk $0xffff, v8  }
0x5e: {  	[tilespmem:v14+s25+$0x0] =	vst.idx.add.f32.msk $0xffff, v4  }
0x5f: {  	[tilespmem:s2], [sflag:$0x1] =	stream.linear.gather [hbm4b:s7+s2], $0x4000, $0x38;
	[tilespmem:$0x10800] =	vst v63  }
0x60: {  	_ = 	snop  }
0x61: {  	[tilespmem:s21], [sflag:$0x1] =	stream.linear.gather [hbm4b:s8+s2], $0x4000, $0x38;
	[tilespmem:$0x10800] =	vst v63  }
0x62: {  	_ =	swait.ge [sflag:s26], $0x4000  }
0x63: {  	[sflag:s26] =	ssyncset.done $0x0  }
0x64: {  	[sflag:s26] =	ssyncadd.s32 $0xFFFFC000  }
0x65: {  	_ =	swait.ge [sflag:s26], $0x4000  }
0x66: {  	[sflag:s26] =	ssyncset.done $0x0  }
0x67: {  	s0 =	simm.s32 $0x8040;
	[sflag:s26] =	ssyncadd.s32 $0xFFFFC000  }
0x68: {  	v5 =	vld [tilespmem:s0+$0x20];
	_ =	sdelay $0x1  }
0x69: {  	v7 =	vld [tilespmem:s0+$0x30]  }
0x6a: {  	s30 =	simm.s32 $0xC040;
	v4 =	vld [tilespmem:s0+$0xFFFFFFC0]  }
0x6b: {  	v6 =	vld [tilespmem:s30+$0xFFFFFFC0]  }
0x6c: {  	v3 =	vld [tilespmem:s0+$0x0];
	v8 =	vmul.f32 $9.999999040e+00, v5  }
0x6d: {  	v2 =	vld [tilespmem:s0+$0xFFFFFFD0]  }
0x6e: {  	v12 =	vld [tilespmem:s30+$0x20];
	v10 =	vmul.f32 $9.999999040e+00, v7;
	v8 =	vtrunc.f32 v8  }
0x6f: {  	v9 =	vld [tilespmem:s0+$0xFFFFFFE0];
	v8 =	vcvt.f32.s32 v8  }
0x70: {  	v13 =	vld [tilespmem:s0+$0xFFFFFFF0];
	v11 =	vmul.f32 $9.999999040e+00, v4;
	v14 =	vsub.f32 v4, v6;
	v4 =	vtrunc.f32 v10  }
0x71: {  	v15 =	vld [tilespmem:s30+$0x30];
	v16 =	vmul.f32 $9.999999040e+00, v3;
	v4 =	vcvt.f32.s32 v4;
	v8 =	vshll.u32 v8, $0x7  }
0x72: {  	v6 =	vtrunc.f32 v11;
	v11 =	vmul.f32 $9.999999040e+00, v2;
	v8 =	vor.u32 v1, v8  }
0x73: {  	v19 =	vld [tilespmem:s30+$0xFFFFFFE0];
	v5 =	vsub.f32 v5, v12;
	v6 =	vcvt.f32.s32 v6;
	v18 =	vshll.u32 v4, $0x7  }
0x74: {  	v10 =	vmul.f32 $9.999999040e+00, v9;
	v11 =	vtrunc.f32 v11;
	v4 =	vld [tilespmem:s0+$0x10];
	v18 =	vor.u32 v1, v18  }
0x75: {  	v17 =	vld [tilespmem:s30+$0xFFFFFFF0];
	v12 =	vmul.f32 $9.999999040e+00, v13;
	v6 =	vshll.u32 v6, $0x7;
	v11 =	vcvt.f32.s32 v11  }
0x76: {  	v7 =	vsub.f32 v7, v15;
	v10 =	vtrunc.f32 v10;
	v21 =	vor.u32 v1, v6;
	v6 =	vld [tilespmem:s30+$0x10]  }
0x77: {  	v20 =	vcvt.f32.s32 v10;
	v10 =	vtrunc.f32 v16;
	v11 =	vshll.u32 v11, $0x7;
	[tilespmem:v8+s25+$0x0] =	vst.idx.add.f32.msk $0xffff, v5  }
0x78: {  	v8 =	vcvt.f32.s32 v10;
	v5 =	vor.u32 v1, v11;
	v11 =	vtrunc.f32 v12;
	v10 =	vld [tilespmem:s30+$0x0]  }
0x79: {  	v9 =	vsub.f32 v9, v19;
	v63 =	vmul.f32 $9.999999040e+00, v4;
	[tilespmem:v18+s25+$0x0] =	vst.idx.add.f32.msk $0xffff, v7;
	v15 =	vcvt.f32.s32 v11  }
0x7a: {  	v12 =	vshll.u32 v20, $0x7;
	v11 =	vshll.u32 v8, $0x7;
	v8 =	vsub.f32 v13, v17;
	v13 =	vld [tilespmem:s30+$0xFFFFFFD0]  }
0x7b: {  	s31 =	simm.s32 $0x0;
	s0 =	simm.s32 $0x80C0;
	[tilespmem:v21+s25+$0x0] =	vst.idx.add.f32.msk $0xffff, v14;
	v7 =	vor.u32 v1, v12;
	v14 =	vtrunc.f32 v63;
	v12 =	vshll.u32 v15, $0x7  }
.LBB2_4:
0x7c: {  	v15 =	vld [tilespmem:s0+$0x20];
	s31 =	sadd.s32 $0x8, s31;
	v14 =	vcvt.f32.s32 v14;
	s30 =	sadd.s32 $0x80, s30  }
0x7d: {  	v16 =	vld [tilespmem:s30+$0x20];
	p0 =	slt.u32 s31, $0x3F8  }
0x7e: {  	v17 =	vld [tilespmem:s30+$0xFFFFFFC0];
	v14 =	vshll.u32 v14, $0x7  }
0x7f: {  	v11 =	vor.u32 v1, v11;
	v18 =	vld [tilespmem:s0+$0xFFFFFFC0];
	v13 =	vsub.f32 v2, v13;
	v14 =	vor.u32 v1, v14  }
0x80: {  	v10 =	vsub.f32 v3, v10;
	v19 =	vld [tilespmem:s0+$0x30]  }
0x81: {  	v2 =	vld [tilespmem:s0+$0xFFFFFFD0]  }
0x82: {  	v20 =	vld [tilespmem:s0+$0xFFFFFFE0]  }
0x83: {  	v12 =	vor.u32 v1, v12;
	v21 =	vld [tilespmem:s0+$0xFFFFFFF0]  }
0x84: {  	v4 =	vsub.f32 v4, v6;
	v23 =	vmul.f32 $9.999999040e+00, v15;
	v22 =	vmul.f32 $9.999999040e+00, v18;
	v3 =	vld [tilespmem:s0+$0x0]  }
0x85: {  	v17 =	vsub.f32 v18, v17;
	v6 =	vmul.f32 $9.999999040e+00, v19;
	[tilespmem:v11+s25+$0x0] =	vst.idx.add.f32.msk $0xffff, v10  }
0x86: {  	v11 =	vtrunc.f32 v23;
	v10 =	vtrunc.f32 v22;
	[tilespmem:v5+s25+$0x0] =	vst.idx.add.f32.msk $0xffff, v13  }
0x87: {  	v5 =	vcvt.f32.s32 v11;
	v6 =	vtrunc.f32 v6;
	[tilespmem:v14+s25+$0x0] =	vst.idx.add.f32.msk $0xffff, v4  }
0x88: {  	v4 =	vmul.f32 $9.999999040e+00, v20;
	v6 =	vcvt.f32.s32 v6;
	[tilespmem:v7+s25+$0x0] =	vst.idx.add.f32.msk $0xffff, v9  }
0x89: {  	v7 =	vmul.f32 $9.999999040e+00, v2;
	v5 =	vshll.u32 v5, $0x7;
	v9 =	vmul.f32 $9.999999040e+00, v3;
	[tilespmem:v12+s25+$0x0] =	vst.idx.add.f32.msk $0xffff, v8  }
0x8a: {  	v8 =	vcvt.f32.s32 v10;
	v10 =	vtrunc.f32 v4;
	v11 =	vor.u32 v1, v5;
	v12 =	vld [tilespmem:s30+$0x30]  }
0x8b: {  	v14 =	vmul.f32 $9.999999040e+00, v21;
	v4 =	vtrunc.f32 v7;
	v5 =	vshll.u32 v6, $0x7;
	v13 =	vld [tilespmem:s30+$0xFFFFFFF0]  }
0x8c: {  	v6 =	vshll.u32 v8, $0x7;
	v7 =	vcvt.f32.s32 v4;
	v18 =	vor.u32 v1, v5;
	v4 =	vld [tilespmem:s0+$0x10]  }
0x8d: {  	v8 =	vcvt.f32.s32 v10;
	v5 =	vtrunc.f32 v9;
	v9 =	vsub.f32 v15, v16;
	v22 =	vld [tilespmem:s30+$0xFFFFFFE0]  }
0x8e: {  	v15 =	vor.u32 v1, v6;
	v16 =	vcvt.f32.s32 v5;
	v7 =	vshll.u32 v7, $0x7;
	v6 =	vld [tilespmem:s30+$0x10]  }
.Ltmp1:
0x8f: {  	v5 =	vor.u32 v1, v7;
	v7 =	vshll.u32 v8, $0x7;
	[tilespmem:v11+s25+$0x0] =	vst.idx.add.f32.msk $0xffff, v9;
	v9 =	vsub.f32 v19, v12;
	(pc) =	sbr.rel @p0 .LBB2_4-.Ltmp1, $4  }
0x90: {  	v8 =	vtrunc.f32 v14;
	v7 =	vor.u32 v1, v7;
	v11 =	vshll.u32 v16, $0x7;
	v10 =	vld [tilespmem:s30+$0x0]  }
0x91: {  	v12 =	vcvt.f32.s32 v8;
	v8 =	vsub.f32 v21, v13;
	v14 =	vmul.f32 $9.999999040e+00, v4;
	[tilespmem:v18+s25+$0x0] =	vst.idx.add.f32.msk $0xffff, v9  }
0x92: {  	v13 =	vld [tilespmem:s30+$0xFFFFFFD0];
	v9 =	vsub.f32 v20, v22  }
0x93: {  	s0 =	sadd.s32 $0x80, s0;
	v12 =	vshll.u32 v12, $0x7;
	[tilespmem:v15+s25+$0x0] =	vst.idx.add.f32.msk $0xffff, v17;
	v14 =	vtrunc.f32 v14  }
0x94: {  	v14 =	vcvt.f32.s32 v14;
	v11 =	vor.u32 v1, v11;
	_ =	sdelay $0x1  }
0x95: {  	v3 =	vsub.f32 v3, v10;
	v10 =	vor.u32 v1, v12;
	v14 =	vshll.u32 v14, $0x7  }
0x96: {  	v14 =	vor.u32 v1, v14  }
0x97: {  	[tilespmem:v7+s25+$0x0] =	vst.idx.add.f32.msk $0xffff, v9;
	v2 =	vsub.f32 v2, v13  }
0x98: {  	[tilespmem:v11+s25+$0x0] =	vst.idx.add.f32.msk $0xffff, v3  }
0x99: {  	v4 =	vsub.f32 v4, v6;
	[tilespmem:v5+s25+$0x0] =	vst.idx.add.f32.msk $0xffff, v2  }
0x9a: {  	[tilespmem:v10+s25+$0x0] =	vst.idx.add.f32.msk $0xffff, v8  }
0x9b: {  	[tilespmem:v14+s25+$0x0] =	vst.idx.add.f32.msk $0xffff, v4  }
0x9c: {  	[tilespmem:s22], [sflag:$0x2] =	stream.linear.gather [hbm4b:s9+s2], $0x4000, $0x38;
	[tilespmem:$0x10800] =	vst v63  }
0x9d: {  	_ = 	snop  }
0x9e: {  	[tilespmem:s23], [sflag:$0x2] =	stream.linear.gather [hbm4b:s10+s2], $0x4000, $0x38;
	[tilespmem:$0x10800] =	vst v63  }
0x9f: {  	_ =	swait.ge [sflag:s24], $0x4000  }
0xa0: {  	[sflag:s24] =	ssyncset.done $0x0  }
0xa1: {  	[sflag:s24] =	ssyncadd.s32 $0xFFFFC000  }
0xa2: {  	_ =	swait.ge [sflag:s24], $0x4000  }
0xa3: {  	[sflag:s24] =	ssyncset.done $0x0  }
0xa4: {  	s0 =	simm.s32 $0x40;
	[sflag:s24] =	ssyncadd.s32 $0xFFFFC000  }
0xa5: {  	v5 =	vld [tilespmem:s0+$0x20];
	_ =	sdelay $0x1  }
0xa6: {  	v7 =	vld [tilespmem:s0+$0x30]  }
0xa7: {  	s30 =	simm.s32 $0x4040;
	v4 =	vld [tilespmem:s0+$0xFFFFFFC0]  }
0xa8: {  	v6 =	vld [tilespmem:s30+$0xFFFFFFC0]  }
0xa9: {  	v3 =	vld [tilespmem:s0+$0x0];
	v8 =	vmul.f32 $9.999999040e+00, v5  }
0xaa: {  	v2 =	vld [tilespmem:s0+$0xFFFFFFD0]  }
0xab: {  	v12 =	vld [tilespmem:s30+$0x20];
	v10 =	vmul.f32 $9.999999040e+00, v7;
	v8 =	vtrunc.f32 v8  }
0xac: {  	v9 =	vld [tilespmem:s0+$0xFFFFFFE0];
	v8 =	vcvt.f32.s32 v8  }
0xad: {  	v13 =	vld [tilespmem:s0+$0xFFFFFFF0];
	v11 =	vmul.f32 $9.999999040e+00, v4;
	v14 =	vsub.f32 v4, v6;
	v4 =	vtrunc.f32 v10  }
0xae: {  	v15 =	vld [tilespmem:s30+$0x30];
	v16 =	vmul.f32 $9.999999040e+00, v3;
	v4 =	vcvt.f32.s32 v4;
	v8 =	vshll.u32 v8, $0x7  }
0xaf: {  	v6 =	vtrunc.f32 v11;
	v11 =	vmul.f32 $9.999999040e+00, v2;
	v8 =	vor.u32 v1, v8  }
0xb0: {  	v19 =	vld [tilespmem:s30+$0xFFFFFFE0];
	v5 =	vsub.f32 v5, v12;
	v6 =	vcvt.f32.s32 v6;
	v18 =	vshll.u32 v4, $0x7  }
0xb1: {  	v10 =	vmul.f32 $9.999999040e+00, v9;
	v11 =	vtrunc.f32 v11;
	v4 =	vld [tilespmem:s0+$0x10];
	v18 =	vor.u32 v1, v18  }
0xb2: {  	v17 =	vld [tilespmem:s30+$0xFFFFFFF0];
	v12 =	vmul.f32 $9.999999040e+00, v13;
	v6 =	vshll.u32 v6, $0x7;
	v11 =	vcvt.f32.s32 v11  }
0xb3: {  	v7 =	vsub.f32 v7, v15;
	v10 =	vtrunc.f32 v10;
	v21 =	vor.u32 v1, v6;
	v6 =	vld [tilespmem:s30+$0x10]  }
0xb4: {  	v20 =	vcvt.f32.s32 v10;
	v10 =	vtrunc.f32 v16;
	v11 =	vshll.u32 v11, $0x7;
	[tilespmem:v8+s25+$0x0] =	vst.idx.add.f32.msk $0xffff, v5  }
0xb5: {  	v8 =	vcvt.f32.s32 v10;
	v5 =	vor.u32 v1, v11;
	v11 =	vtrunc.f32 v12;
	v10 =	vld [tilespmem:s30+$0x0]  }
0xb6: {  	v9 =	vsub.f32 v9, v19;
	v63 =	vmul.f32 $9.999999040e+00, v4;
	[tilespmem:v18+s25+$0x0] =	vst.idx.add.f32.msk $0xffff, v7;
	v15 =	vcvt.f32.s32 v11  }
0xb7: {  	v12 =	vshll.u32 v20, $0x7;
	v11 =	vshll.u32 v8, $0x7;
	v8 =	vsub.f32 v13, v17;
	v13 =	vld [tilespmem:s30+$0xFFFFFFD0]  }
0xb8: {  	s31 =	simm.s32 $0x0;
	s0 =	simm.s32 $0xC0;
	[tilespmem:v21+s25+$0x0] =	vst.idx.add.f32.msk $0xffff, v14;
	v7 =	vor.u32 v1, v12;
	v14 =	vtrunc.f32 v63;
	v12 =	vshll.u32 v15, $0x7  }
.LBB2_6:
0xb9: {  	v15 =	vld [tilespmem:s0+$0x20];
	s31 =	sadd.s32 $0x8, s31;
	v14 =	vcvt.f32.s32 v14;
	s30 =	sadd.s32 $0x80, s30  }
0xba: {  	v16 =	vld [tilespmem:s30+$0x20];
	p0 =	slt.u32 s31, $0x3F8  }
0xbb: {  	v17 =	vld [tilespmem:s30+$0xFFFFFFC0];
	v14 =	vshll.u32 v14, $0x7  }
0xbc: {  	v11 =	vor.u32 v1, v11;
	v18 =	vld [tilespmem:s0+$0xFFFFFFC0];
	v13 =	vsub.f32 v2, v13;
	v14 =	vor.u32 v1, v14  }
0xbd: {  	v10 =	vsub.f32 v3, v10;
	v19 =	vld [tilespmem:s0+$0x30]  }
0xbe: {  	v2 =	vld [tilespmem:s0+$0xFFFFFFD0]  }
0xbf: {  	v20 =	vld [tilespmem:s0+$0xFFFFFFE0]  }
0xc0: {  	v12 =	vor.u32 v1, v12;
	v21 =	vld [tilespmem:s0+$0xFFFFFFF0]  }
0xc1: {  	v4 =	vsub.f32 v4, v6;
	v23 =	vmul.f32 $9.999999040e+00, v15;
	v22 =	vmul.f32 $9.999999040e+00, v18;
	v3 =	vld [tilespmem:s0+$0x0]  }
0xc2: {  	v17 =	vsub.f32 v18, v17;
	v6 =	vmul.f32 $9.999999040e+00, v19;
	[tilespmem:v11+s25+$0x0] =	vst.idx.add.f32.msk $0xffff, v10  }
0xc3: {  	v11 =	vtrunc.f32 v23;
	v10 =	vtrunc.f32 v22;
	[tilespmem:v5+s25+$0x0] =	vst.idx.add.f32.msk $0xffff, v13  }
0xc4: {  	v5 =	vcvt.f32.s32 v11;
	v6 =	vtrunc.f32 v6;
	[tilespmem:v14+s25+$0x0] =	vst.idx.add.f32.msk $0xffff, v4  }
0xc5: {  	v4 =	vmul.f32 $9.999999040e+00, v20;
	v6 =	vcvt.f32.s32 v6;
	[tilespmem:v7+s25+$0x0] =	vst.idx.add.f32.msk $0xffff, v9  }
0xc6: {  	v7 =	vmul.f32 $9.999999040e+00, v2;
	v5 =	vshll.u32 v5, $0x7;
	v9 =	vmul.f32 $9.999999040e+00, v3;
	[tilespmem:v12+s25+$0x0] =	vst.idx.add.f32.msk $0xffff, v8  }
0xc7: {  	v8 =	vcvt.f32.s32 v10;
	v10 =	vtrunc.f32 v4;
	v11 =	vor.u32 v1, v5;
	v12 =	vld [tilespmem:s30+$0x30]  }
0xc8: {  	v14 =	vmul.f32 $9.999999040e+00, v21;
	v4 =	vtrunc.f32 v7;
	v5 =	vshll.u32 v6, $0x7;
	v13 =	vld [tilespmem:s30+$0xFFFFFFF0]  }
0xc9: {  	v6 =	vshll.u32 v8, $0x7;
	v7 =	vcvt.f32.s32 v4;
	v18 =	vor.u32 v1, v5;
	v4 =	vld [tilespmem:s0+$0x10]  }
0xca: {  	v8 =	vcvt.f32.s32 v10;
	v5 =	vtrunc.f32 v9;
	v9 =	vsub.f32 v15, v16;
	v22 =	vld [tilespmem:s30+$0xFFFFFFE0]  }
0xcb: {  	v15 =	vor.u32 v1, v6;
	v16 =	vcvt.f32.s32 v5;
	v7 =	vshll.u32 v7, $0x7;
	v6 =	vld [tilespmem:s30+$0x10]  }
.Ltmp2:
0xcc: {  	v5 =	vor.u32 v1, v7;
	v7 =	vshll.u32 v8, $0x7;
	[tilespmem:v11+s25+$0x0] =	vst.idx.add.f32.msk $0xffff, v9;
	v9 =	vsub.f32 v19, v12;
	(pc) =	sbr.rel @p0 .LBB2_6-.Ltmp2, $4  }
0xcd: {  	v8 =	vtrunc.f32 v14;
	v7 =	vor.u32 v1, v7;
	v11 =	vshll.u32 v16, $0x7;
	v10 =	vld [tilespmem:s30+$0x0]  }
0xce: {  	v12 =	vcvt.f32.s32 v8;
	v8 =	vsub.f32 v21, v13;
	v14 =	vmul.f32 $9.999999040e+00, v4;
	[tilespmem:v18+s25+$0x0] =	vst.idx.add.f32.msk $0xffff, v9  }
0xcf: {  	v13 =	vld [tilespmem:s30+$0xFFFFFFD0];
	v9 =	vsub.f32 v20, v22  }
0xd0: {  	s0 =	sadd.s32 $0x80, s0;
	v12 =	vshll.u32 v12, $0x7;
	[tilespmem:v15+s25+$0x0] =	vst.idx.add.f32.msk $0xffff, v17;
	v14 =	vtrunc.f32 v14  }
0xd1: {  	v14 =	vcvt.f32.s32 v14;
	v11 =	vor.u32 v1, v11;
	_ =	sdelay $0x1  }
0xd2: {  	v3 =	vsub.f32 v3, v10;
	v10 =	vor.u32 v1, v12;
	v14 =	vshll.u32 v14, $0x7  }
0xd3: {  	v14 =	vor.u32 v1, v14  }
0xd4: {  	[tilespmem:v7+s25+$0x0] =	vst.idx.add.f32.msk $0xffff, v9;
	v2 =	vsub.f32 v2, v13  }
0xd5: {  	[tilespmem:v11+s25+$0x0] =	vst.idx.add.f32.msk $0xffff, v3  }
0xd6: {  	v4 =	vsub.f32 v4, v6;
	[tilespmem:v5+s25+$0x0] =	vst.idx.add.f32.msk $0xffff, v2  }
0xd7: {  	[tilespmem:v10+s25+$0x0] =	vst.idx.add.f32.msk $0xffff, v8  }
0xd8: {  	[tilespmem:v14+s25+$0x0] =	vst.idx.add.f32.msk $0xffff, v4  }
0xd9: {  	[tilespmem:s2], [sflag:$0x1] =	stream.linear.gather [hbm4b:s11+s2], $0x4000, $0x38;
	[tilespmem:$0x10800] =	vst v63  }
0xda: {  	_ = 	snop  }
0xdb: {  	[tilespmem:s21], [sflag:$0x1] =	stream.linear.gather [hbm4b:s12+s2], $0x4000, $0x38;
	[tilespmem:$0x10800] =	vst v63  }
0xdc: {  	_ =	swait.ge [sflag:s26], $0x4000  }
0xdd: {  	[sflag:s26] =	ssyncset.done $0x0  }
0xde: {  	[sflag:s26] =	ssyncadd.s32 $0xFFFFC000  }
0xdf: {  	_ =	swait.ge [sflag:s26], $0x4000  }
0xe0: {  	[sflag:s26] =	ssyncset.done $0x0  }
0xe1: {  	s0 =	simm.s32 $0x8040;
	[sflag:s26] =	ssyncadd.s32 $0xFFFFC000  }
0xe2: {  	v5 =	vld [tilespmem:s0+$0x20];
	_ =	sdelay $0x1  }
0xe3: {  	v7 =	vld [tilespmem:s0+$0x30]  }
0xe4: {  	s30 =	simm.s32 $0xC040;
	v4 =	vld [tilespmem:s0+$0xFFFFFFC0]  }
0xe5: {  	v6 =	vld [tilespmem:s30+$0xFFFFFFC0]  }
0xe6: {  	v3 =	vld [tilespmem:s0+$0x0];
	v8 =	vmul.f32 $9.999999040e+00, v5  }
0xe7: {  	v2 =	vld [tilespmem:s0+$0xFFFFFFD0]  }
0xe8: {  	v12 =	vld [tilespmem:s30+$0x20];
	v10 =	vmul.f32 $9.999999040e+00, v7;
	v8 =	vtrunc.f32 v8  }
0xe9: {  	v9 =	vld [tilespmem:s0+$0xFFFFFFE0];
	v8 =	vcvt.f32.s32 v8  }
0xea: {  	v13 =	vld [tilespmem:s0+$0xFFFFFFF0];
	v11 =	vmul.f32 $9.999999040e+00, v4;
	v14 =	vsub.f32 v4, v6;
	v4 =	vtrunc.f32 v10  }
0xeb: {  	v15 =	vld [tilespmem:s30+$0x30];
	v16 =	vmul.f32 $9.999999040e+00, v3;
	v4 =	vcvt.f32.s32 v4;
	v8 =	vshll.u32 v8, $0x7  }
0xec: {  	v6 =	vtrunc.f32 v11;
	v11 =	vmul.f32 $9.999999040e+00, v2;
	v8 =	vor.u32 v1, v8  }
0xed: {  	v19 =	vld [tilespmem:s30+$0xFFFFFFE0];
	v5 =	vsub.f32 v5, v12;
	v6 =	vcvt.f32.s32 v6;
	v18 =	vshll.u32 v4, $0x7  }
0xee: {  	v10 =	vmul.f32 $9.999999040e+00, v9;
	v11 =	vtrunc.f32 v11;
	v4 =	vld [tilespmem:s0+$0x10];
	v18 =	vor.u32 v1, v18  }
0xef: {  	v17 =	vld [tilespmem:s30+$0xFFFFFFF0];
	v12 =	vmul.f32 $9.999999040e+00, v13;
	v6 =	vshll.u32 v6, $0x7;
	v11 =	vcvt.f32.s32 v11  }
0xf0: {  	v7 =	vsub.f32 v7, v15;
	v10 =	vtrunc.f32 v10;
	v21 =	vor.u32 v1, v6;
	v6 =	vld [tilespmem:s30+$0x10]  }
0xf1: {  	v20 =	vcvt.f32.s32 v10;
	v10 =	vtrunc.f32 v16;
	v11 =	vshll.u32 v11, $0x7;
	[tilespmem:v8+s25+$0x0] =	vst.idx.add.f32.msk $0xffff, v5  }
0xf2: {  	v8 =	vcvt.f32.s32 v10;
	v5 =	vor.u32 v1, v11;
	v11 =	vtrunc.f32 v12;
	v10 =	vld [tilespmem:s30+$0x0]  }
0xf3: {  	v9 =	vsub.f32 v9, v19;
	v63 =	vmul.f32 $9.999999040e+00, v4;
	[tilespmem:v18+s25+$0x0] =	vst.idx.add.f32.msk $0xffff, v7;
	v15 =	vcvt.f32.s32 v11  }
0xf4: {  	v12 =	vshll.u32 v20, $0x7;
	v11 =	vshll.u32 v8, $0x7;
	v8 =	vsub.f32 v13, v17;
	v13 =	vld [tilespmem:s30+$0xFFFFFFD0]  }
0xf5: {  	s31 =	simm.s32 $0x0;
	s0 =	simm.s32 $0x80C0;
	[tilespmem:v21+s25+$0x0] =	vst.idx.add.f32.msk $0xffff, v14;
	v7 =	vor.u32 v1, v12;
	v14 =	vtrunc.f32 v63;
	v12 =	vshll.u32 v15, $0x7  }
.LBB2_8:
0xf6: {  	v15 =	vld [tilespmem:s0+$0x20];
	s31 =	sadd.s32 $0x8, s31;
	v14 =	vcvt.f32.s32 v14;
	s30 =	sadd.s32 $0x80, s30  }
0xf7: {  	v16 =	vld [tilespmem:s30+$0x20];
	p0 =	slt.u32 s31, $0x3F8  }
0xf8: {  	v17 =	vld [tilespmem:s30+$0xFFFFFFC0];
	v14 =	vshll.u32 v14, $0x7  }
0xf9: {  	v11 =	vor.u32 v1, v11;
	v18 =	vld [tilespmem:s0+$0xFFFFFFC0];
	v13 =	vsub.f32 v2, v13;
	v14 =	vor.u32 v1, v14  }
0xfa: {  	v10 =	vsub.f32 v3, v10;
	v19 =	vld [tilespmem:s0+$0x30]  }
0xfb: {  	v2 =	vld [tilespmem:s0+$0xFFFFFFD0]  }
0xfc: {  	v20 =	vld [tilespmem:s0+$0xFFFFFFE0]  }
0xfd: {  	v12 =	vor.u32 v1, v12;
	v21 =	vld [tilespmem:s0+$0xFFFFFFF0]  }
0xfe: {  	v4 =	vsub.f32 v4, v6;
	v23 =	vmul.f32 $9.999999040e+00, v15;
	v22 =	vmul.f32 $9.999999040e+00, v18;
	v3 =	vld [tilespmem:s0+$0x0]  }
0xff: {  	v17 =	vsub.f32 v18, v17;
	v6 =	vmul.f32 $9.999999040e+00, v19;
	[tilespmem:v11+s25+$0x0] =	vst.idx.add.f32.msk $0xffff, v10  }
0x100: {  	v11 =	vtrunc.f32 v23;
	v10 =	vtrunc.f32 v22;
	[tilespmem:v5+s25+$0x0] =	vst.idx.add.f32.msk $0xffff, v13  }
0x101: {  	v5 =	vcvt.f32.s32 v11;
	v6 =	vtrunc.f32 v6;
	[tilespmem:v14+s25+$0x0] =	vst.idx.add.f32.msk $0xffff, v4  }
0x102: {  	v4 =	vmul.f32 $9.999999040e+00, v20;
	v6 =	vcvt.f32.s32 v6;
	[tilespmem:v7+s25+$0x0] =	vst.idx.add.f32.msk $0xffff, v9  }
0x103: {  	v7 =	vmul.f32 $9.999999040e+00, v2;
	v5 =	vshll.u32 v5, $0x7;
	v9 =	vmul.f32 $9.999999040e+00, v3;
	[tilespmem:v12+s25+$0x0] =	vst.idx.add.f32.msk $0xffff, v8  }
0x104: {  	v8 =	vcvt.f32.s32 v10;
	v10 =	vtrunc.f32 v4;
	v11 =	vor.u32 v1, v5;
	v12 =	vld [tilespmem:s30+$0x30]  }
0x105: {  	v14 =	vmul.f32 $9.999999040e+00, v21;
	v4 =	vtrunc.f32 v7;
	v5 =	vshll.u32 v6, $0x7;
	v13 =	vld [tilespmem:s30+$0xFFFFFFF0]  }
0x106: {  	v6 =	vshll.u32 v8, $0x7;
	v7 =	vcvt.f32.s32 v4;
	v18 =	vor.u32 v1, v5;
	v4 =	vld [tilespmem:s0+$0x10]  }
0x107: {  	v8 =	vcvt.f32.s32 v10;
	v5 =	vtrunc.f32 v9;
	v9 =	vsub.f32 v15, v16;
	v22 =	vld [tilespmem:s30+$0xFFFFFFE0]  }
0x108: {  	v15 =	vor.u32 v1, v6;
	v16 =	vcvt.f32.s32 v5;
	v7 =	vshll.u32 v7, $0x7;
	v6 =	vld [tilespmem:s30+$0x10]  }
.Ltmp3:
0x109: {  	v5 =	vor.u32 v1, v7;
	v7 =	vshll.u32 v8, $0x7;
	[tilespmem:v11+s25+$0x0] =	vst.idx.add.f32.msk $0xffff, v9;
	v9 =	vsub.f32 v19, v12;
	(pc) =	sbr.rel @p0 .LBB2_8-.Ltmp3, $4  }
0x10a: {  	v8 =	vtrunc.f32 v14;
	v7 =	vor.u32 v1, v7;
	v11 =	vshll.u32 v16, $0x7;
	v10 =	vld [tilespmem:s30+$0x0]  }
0x10b: {  	v12 =	vcvt.f32.s32 v8;
	v8 =	vsub.f32 v21, v13;
	v14 =	vmul.f32 $9.999999040e+00, v4;
	[tilespmem:v18+s25+$0x0] =	vst.idx.add.f32.msk $0xffff, v9  }
0x10c: {  	v13 =	vld [tilespmem:s30+$0xFFFFFFD0];
	v9 =	vsub.f32 v20, v22  }
0x10d: {  	s0 =	sadd.s32 $0x80, s0;
	v12 =	vshll.u32 v12, $0x7;
	[tilespmem:v15+s25+$0x0] =	vst.idx.add.f32.msk $0xffff, v17;
	v14 =	vtrunc.f32 v14  }
0x10e: {  	v14 =	vcvt.f32.s32 v14;
	v11 =	vor.u32 v1, v11;
	_ =	sdelay $0x1  }
0x10f: {  	v3 =	vsub.f32 v3, v10;
	v10 =	vor.u32 v1, v12;
	v14 =	vshll.u32 v14, $0x7  }
0x110: {  	v14 =	vor.u32 v1, v14  }
0x111: {  	[tilespmem:v7+s25+$0x0] =	vst.idx.add.f32.msk $0xffff, v9;
	v2 =	vsub.f32 v2, v13  }
0x112: {  	[tilespmem:v11+s25+$0x0] =	vst.idx.add.f32.msk $0xffff, v3  }
0x113: {  	v4 =	vsub.f32 v4, v6;
	[tilespmem:v5+s25+$0x0] =	vst.idx.add.f32.msk $0xffff, v2  }
0x114: {  	[tilespmem:v10+s25+$0x0] =	vst.idx.add.f32.msk $0xffff, v8  }
0x115: {  	[tilespmem:v14+s25+$0x0] =	vst.idx.add.f32.msk $0xffff, v4  }
0x116: {  	[tilespmem:s22], [sflag:$0x2] =	stream.linear.gather [hbm4b:s13+s2], $0x4000, $0x38;
	[tilespmem:$0x10800] =	vst v63  }
0x117: {  	_ = 	snop  }
0x118: {  	[tilespmem:s23], [sflag:$0x2] =	stream.linear.gather [hbm4b:s14+s2], $0x4000, $0x38;
	[tilespmem:$0x10800] =	vst v63  }
0x119: {  	_ =	swait.ge [sflag:s24], $0x4000  }
0x11a: {  	[sflag:s24] =	ssyncset.done $0x0  }
0x11b: {  	[sflag:s24] =	ssyncadd.s32 $0xFFFFC000  }
0x11c: {  	_ =	swait.ge [sflag:s24], $0x4000  }
0x11d: {  	[sflag:s24] =	ssyncset.done $0x0  }
0x11e: {  	s0 =	simm.s32 $0x40;
	[sflag:s24] =	ssyncadd.s32 $0xFFFFC000  }
0x11f: {  	v5 =	vld [tilespmem:s0+$0x20];
	_ =	sdelay $0x1  }
0x120: {  	v7 =	vld [tilespmem:s0+$0x30]  }
0x121: {  	s30 =	simm.s32 $0x4040;
	v4 =	vld [tilespmem:s0+$0xFFFFFFC0]  }
0x122: {  	v6 =	vld [tilespmem:s30+$0xFFFFFFC0]  }
0x123: {  	v3 =	vld [tilespmem:s0+$0x0];
	v8 =	vmul.f32 $9.999999040e+00, v5  }
0x124: {  	v2 =	vld [tilespmem:s0+$0xFFFFFFD0]  }
0x125: {  	v12 =	vld [tilespmem:s30+$0x20];
	v10 =	vmul.f32 $9.999999040e+00, v7;
	v8 =	vtrunc.f32 v8  }
0x126: {  	v9 =	vld [tilespmem:s0+$0xFFFFFFE0];
	v8 =	vcvt.f32.s32 v8  }
0x127: {  	v13 =	vld [tilespmem:s0+$0xFFFFFFF0];
	v11 =	vmul.f32 $9.999999040e+00, v4;
	v14 =	vsub.f32 v4, v6;
	v4 =	vtrunc.f32 v10  }
0x128: {  	v15 =	vld [tilespmem:s30+$0x30];
	v16 =	vmul.f32 $9.999999040e+00, v3;
	v4 =	vcvt.f32.s32 v4;
	v8 =	vshll.u32 v8, $0x7  }
0x129: {  	v6 =	vtrunc.f32 v11;
	v11 =	vmul.f32 $9.999999040e+00, v2;
	v8 =	vor.u32 v1, v8  }
0x12a: {  	v19 =	vld [tilespmem:s30+$0xFFFFFFE0];
	v5 =	vsub.f32 v5, v12;
	v6 =	vcvt.f32.s32 v6;
	v18 =	vshll.u32 v4, $0x7  }
0x12b: {  	v10 =	vmul.f32 $9.999999040e+00, v9;
	v11 =	vtrunc.f32 v11;
	v4 =	vld [tilespmem:s0+$0x10];
	v18 =	vor.u32 v1, v18  }
0x12c: {  	v17 =	vld [tilespmem:s30+$0xFFFFFFF0];
	v12 =	vmul.f32 $9.999999040e+00, v13;
	v6 =	vshll.u32 v6, $0x7;
	v11 =	vcvt.f32.s32 v11  }
0x12d: {  	v7 =	vsub.f32 v7, v15;
	v10 =	vtrunc.f32 v10;
	v21 =	vor.u32 v1, v6;
	v6 =	vld [tilespmem:s30+$0x10]  }
0x12e: {  	v20 =	vcvt.f32.s32 v10;
	v10 =	vtrunc.f32 v16;
	v11 =	vshll.u32 v11, $0x7;
	[tilespmem:v8+s25+$0x0] =	vst.idx.add.f32.msk $0xffff, v5  }
0x12f: {  	v8 =	vcvt.f32.s32 v10;
	v5 =	vor.u32 v1, v11;
	v11 =	vtrunc.f32 v12;
	v10 =	vld [tilespmem:s30+$0x0]  }
0x130: {  	v9 =	vsub.f32 v9, v19;
	v63 =	vmul.f32 $9.999999040e+00, v4;
	[tilespmem:v18+s25+$0x0] =	vst.idx.add.f32.msk $0xffff, v7;
	v15 =	vcvt.f32.s32 v11  }
0x131: {  	v12 =	vshll.u32 v20, $0x7;
	v11 =	vshll.u32 v8, $0x7;
	v8 =	vsub.f32 v13, v17;
	v13 =	vld [tilespmem:s30+$0xFFFFFFD0]  }
0x132: {  	s31 =	simm.s32 $0x0;
	s0 =	simm.s32 $0xC0;
	[tilespmem:v21+s25+$0x0] =	vst.idx.add.f32.msk $0xffff, v14;
	v7 =	vor.u32 v1, v12;
	v14 =	vtrunc.f32 v63;
	v12 =	vshll.u32 v15, $0x7  }
.LBB2_10:
0x133: {  	v15 =	vld [tilespmem:s0+$0x20];
	s31 =	sadd.s32 $0x8, s31;
	v14 =	vcvt.f32.s32 v14;
	s30 =	sadd.s32 $0x80, s30  }
0x134: {  	v16 =	vld [tilespmem:s30+$0x20];
	p0 =	slt.u32 s31, $0x3F8  }
0x135: {  	v17 =	vld [tilespmem:s30+$0xFFFFFFC0];
	v14 =	vshll.u32 v14, $0x7  }
0x136: {  	v11 =	vor.u32 v1, v11;
	v18 =	vld [tilespmem:s0+$0xFFFFFFC0];
	v13 =	vsub.f32 v2, v13;
	v14 =	vor.u32 v1, v14  }
0x137: {  	v10 =	vsub.f32 v3, v10;
	v19 =	vld [tilespmem:s0+$0x30]  }
0x138: {  	v2 =	vld [tilespmem:s0+$0xFFFFFFD0]  }
0x139: {  	v20 =	vld [tilespmem:s0+$0xFFFFFFE0]  }
0x13a: {  	v12 =	vor.u32 v1, v12;
	v21 =	vld [tilespmem:s0+$0xFFFFFFF0]  }
0x13b: {  	v4 =	vsub.f32 v4, v6;
	v23 =	vmul.f32 $9.999999040e+00, v15;
	v22 =	vmul.f32 $9.999999040e+00, v18;
	v3 =	vld [tilespmem:s0+$0x0]  }
0x13c: {  	v17 =	vsub.f32 v18, v17;
	v6 =	vmul.f32 $9.999999040e+00, v19;
	[tilespmem:v11+s25+$0x0] =	vst.idx.add.f32.msk $0xffff, v10  }
0x13d: {  	v11 =	vtrunc.f32 v23;
	v10 =	vtrunc.f32 v22;
	[tilespmem:v5+s25+$0x0] =	vst.idx.add.f32.msk $0xffff, v13  }
0x13e: {  	v5 =	vcvt.f32.s32 v11;
	v6 =	vtrunc.f32 v6;
	[tilespmem:v14+s25+$0x0] =	vst.idx.add.f32.msk $0xffff, v4  }
0x13f: {  	v4 =	vmul.f32 $9.999999040e+00, v20;
	v6 =	vcvt.f32.s32 v6;
	[tilespmem:v7+s25+$0x0] =	vst.idx.add.f32.msk $0xffff, v9  }
0x140: {  	v7 =	vmul.f32 $9.999999040e+00, v2;
	v5 =	vshll.u32 v5, $0x7;
	v9 =	vmul.f32 $9.999999040e+00, v3;
	[tilespmem:v12+s25+$0x0] =	vst.idx.add.f32.msk $0xffff, v8  }
0x141: {  	v8 =	vcvt.f32.s32 v10;
	v10 =	vtrunc.f32 v4;
	v11 =	vor.u32 v1, v5;
	v12 =	vld [tilespmem:s30+$0x30]  }
0x142: {  	v14 =	vmul.f32 $9.999999040e+00, v21;
	v4 =	vtrunc.f32 v7;
	v5 =	vshll.u32 v6, $0x7;
	v13 =	vld [tilespmem:s30+$0xFFFFFFF0]  }
0x143: {  	v6 =	vshll.u32 v8, $0x7;
	v7 =	vcvt.f32.s32 v4;
	v18 =	vor.u32 v1, v5;
	v4 =	vld [tilespmem:s0+$0x10]  }
0x144: {  	v8 =	vcvt.f32.s32 v10;
	v5 =	vtrunc.f32 v9;
	v9 =	vsub.f32 v15, v16;
	v22 =	vld [tilespmem:s30+$0xFFFFFFE0]  }
0x145: {  	v15 =	vor.u32 v1, v6;
	v16 =	vcvt.f32.s32 v5;
	v7 =	vshll.u32 v7, $0x7;
	v6 =	vld [tilespmem:s30+$0x10]  }
.Ltmp4:
0x146: {  	v5 =	vor.u32 v1, v7;
	v7 =	vshll.u32 v8, $0x7;
	[tilespmem:v11+s25+$0x0] =	vst.idx.add.f32.msk $0xffff, v9;
	v9 =	vsub.f32 v19, v12;
	(pc) =	sbr.rel @p0 .LBB2_10-.Ltmp4, $4  }
0x147: {  	v8 =	vtrunc.f32 v14;
	v7 =	vor.u32 v1, v7;
	v11 =	vshll.u32 v16, $0x7;
	v10 =	vld [tilespmem:s30+$0x0]  }
0x148: {  	v12 =	vcvt.f32.s32 v8;
	v8 =	vsub.f32 v21, v13;
	v14 =	vmul.f32 $9.999999040e+00, v4;
	[tilespmem:v18+s25+$0x0] =	vst.idx.add.f32.msk $0xffff, v9  }
0x149: {  	v13 =	vld [tilespmem:s30+$0xFFFFFFD0];
	v9 =	vsub.f32 v20, v22  }
0x14a: {  	s0 =	sadd.s32 $0x80, s0;
	v12 =	vshll.u32 v12, $0x7;
	[tilespmem:v15+s25+$0x0] =	vst.idx.add.f32.msk $0xffff, v17;
	v14 =	vtrunc.f32 v14  }
0x14b: {  	v14 =	vcvt.f32.s32 v14;
	v11 =	vor.u32 v1, v11;
	_ =	sdelay $0x1  }
0x14c: {  	v3 =	vsub.f32 v3, v10;
	v10 =	vor.u32 v1, v12;
	v14 =	vshll.u32 v14, $0x7  }
0x14d: {  	v14 =	vor.u32 v1, v14  }
0x14e: {  	[tilespmem:v7+s25+$0x0] =	vst.idx.add.f32.msk $0xffff, v9;
	v2 =	vsub.f32 v2, v13  }
0x14f: {  	[tilespmem:v11+s25+$0x0] =	vst.idx.add.f32.msk $0xffff, v3  }
0x150: {  	v4 =	vsub.f32 v4, v6;
	[tilespmem:v5+s25+$0x0] =	vst.idx.add.f32.msk $0xffff, v2  }
0x151: {  	[tilespmem:v10+s25+$0x0] =	vst.idx.add.f32.msk $0xffff, v8  }
0x152: {  	[tilespmem:v14+s25+$0x0] =	vst.idx.add.f32.msk $0xffff, v4  }
0x153: {  	[tilespmem:s2], [sflag:$0x1] =	stream.linear.gather [hbm4b:s15+s2], $0x4000, $0x38;
	[tilespmem:$0x10800] =	vst v63  }
0x154: {  	_ = 	snop  }
0x155: {  	[tilespmem:s21], [sflag:$0x1] =	stream.linear.gather [hbm4b:s16+s2], $0x4000, $0x38;
	[tilespmem:$0x10800] =	vst v63  }
0x156: {  	_ =	swait.ge [sflag:s26], $0x4000  }
0x157: {  	[sflag:s26] =	ssyncset.done $0x0  }
0x158: {  	[sflag:s26] =	ssyncadd.s32 $0xFFFFC000  }
0x159: {  	_ =	swait.ge [sflag:s26], $0x4000  }
0x15a: {  	[sflag:s26] =	ssyncset.done $0x0  }
0x15b: {  	s0 =	simm.s32 $0x8040;
	[sflag:s26] =	ssyncadd.s32 $0xFFFFC000  }
0x15c: {  	v5 =	vld [tilespmem:s0+$0x20];
	_ =	sdelay $0x1  }
0x15d: {  	v7 =	vld [tilespmem:s0+$0x30]  }
0x15e: {  	s30 =	simm.s32 $0xC040;
	v4 =	vld [tilespmem:s0+$0xFFFFFFC0]  }
0x15f: {  	v6 =	vld [tilespmem:s30+$0xFFFFFFC0]  }
0x160: {  	v3 =	vld [tilespmem:s0+$0x0];
	v8 =	vmul.f32 $9.999999040e+00, v5  }
0x161: {  	v2 =	vld [tilespmem:s0+$0xFFFFFFD0]  }
0x162: {  	v12 =	vld [tilespmem:s30+$0x20];
	v10 =	vmul.f32 $9.999999040e+00, v7;
	v8 =	vtrunc.f32 v8  }
0x163: {  	v9 =	vld [tilespmem:s0+$0xFFFFFFE0];
	v8 =	vcvt.f32.s32 v8  }
0x164: {  	v13 =	vld [tilespmem:s0+$0xFFFFFFF0];
	v11 =	vmul.f32 $9.999999040e+00, v4;
	v14 =	vsub.f32 v4, v6;
	v4 =	vtrunc.f32 v10  }
0x165: {  	v15 =	vld [tilespmem:s30+$0x30];
	v16 =	vmul.f32 $9.999999040e+00, v3;
	v4 =	vcvt.f32.s32 v4;
	v8 =	vshll.u32 v8, $0x7  }
0x166: {  	v6 =	vtrunc.f32 v11;
	v11 =	vmul.f32 $9.999999040e+00, v2;
	v8 =	vor.u32 v1, v8  }
0x167: {  	v19 =	vld [tilespmem:s30+$0xFFFFFFE0];
	v5 =	vsub.f32 v5, v12;
	v6 =	vcvt.f32.s32 v6;
	v18 =	vshll.u32 v4, $0x7  }
0x168: {  	v10 =	vmul.f32 $9.999999040e+00, v9;
	v11 =	vtrunc.f32 v11;
	v4 =	vld [tilespmem:s0+$0x10];
	v18 =	vor.u32 v1, v18  }
0x169: {  	v17 =	vld [tilespmem:s30+$0xFFFFFFF0];
	v12 =	vmul.f32 $9.999999040e+00, v13;
	v6 =	vshll.u32 v6, $0x7;
	v11 =	vcvt.f32.s32 v11  }
0x16a: {  	v7 =	vsub.f32 v7, v15;
	v10 =	vtrunc.f32 v10;
	v21 =	vor.u32 v1, v6;
	v6 =	vld [tilespmem:s30+$0x10]  }
0x16b: {  	v20 =	vcvt.f32.s32 v10;
	v10 =	vtrunc.f32 v16;
	v11 =	vshll.u32 v11, $0x7;
	[tilespmem:v8+s25+$0x0] =	vst.idx.add.f32.msk $0xffff, v5  }
0x16c: {  	v8 =	vcvt.f32.s32 v10;
	v5 =	vor.u32 v1, v11;
	v11 =	vtrunc.f32 v12;
	v10 =	vld [tilespmem:s30+$0x0]  }
0x16d: {  	v9 =	vsub.f32 v9, v19;
	v63 =	vmul.f32 $9.999999040e+00, v4;
	[tilespmem:v18+s25+$0x0] =	vst.idx.add.f32.msk $0xffff, v7;
	v15 =	vcvt.f32.s32 v11  }
0x16e: {  	v12 =	vshll.u32 v20, $0x7;
	v11 =	vshll.u32 v8, $0x7;
	v8 =	vsub.f32 v13, v17;
	v13 =	vld [tilespmem:s30+$0xFFFFFFD0]  }
0x16f: {  	s31 =	simm.s32 $0x0;
	s0 =	simm.s32 $0x80C0;
	[tilespmem:v21+s25+$0x0] =	vst.idx.add.f32.msk $0xffff, v14;
	v7 =	vor.u32 v1, v12;
	v14 =	vtrunc.f32 v63;
	v12 =	vshll.u32 v15, $0x7  }
.LBB2_12:
0x170: {  	v15 =	vld [tilespmem:s0+$0x20];
	s31 =	sadd.s32 $0x8, s31;
	v14 =	vcvt.f32.s32 v14;
	s30 =	sadd.s32 $0x80, s30  }
0x171: {  	v16 =	vld [tilespmem:s30+$0x20];
	p0 =	slt.u32 s31, $0x3F8  }
0x172: {  	v17 =	vld [tilespmem:s30+$0xFFFFFFC0];
	v14 =	vshll.u32 v14, $0x7  }
0x173: {  	v11 =	vor.u32 v1, v11;
	v18 =	vld [tilespmem:s0+$0xFFFFFFC0];
	v13 =	vsub.f32 v2, v13;
	v14 =	vor.u32 v1, v14  }
0x174: {  	v10 =	vsub.f32 v3, v10;
	v19 =	vld [tilespmem:s0+$0x30]  }
0x175: {  	v2 =	vld [tilespmem:s0+$0xFFFFFFD0]  }
0x176: {  	v20 =	vld [tilespmem:s0+$0xFFFFFFE0]  }
0x177: {  	v12 =	vor.u32 v1, v12;
	v21 =	vld [tilespmem:s0+$0xFFFFFFF0]  }
0x178: {  	v4 =	vsub.f32 v4, v6;
	v23 =	vmul.f32 $9.999999040e+00, v15;
	v22 =	vmul.f32 $9.999999040e+00, v18;
	v3 =	vld [tilespmem:s0+$0x0]  }
0x179: {  	v17 =	vsub.f32 v18, v17;
	v6 =	vmul.f32 $9.999999040e+00, v19;
	[tilespmem:v11+s25+$0x0] =	vst.idx.add.f32.msk $0xffff, v10  }
0x17a: {  	v11 =	vtrunc.f32 v23;
	v10 =	vtrunc.f32 v22;
	[tilespmem:v5+s25+$0x0] =	vst.idx.add.f32.msk $0xffff, v13  }
0x17b: {  	v5 =	vcvt.f32.s32 v11;
	v6 =	vtrunc.f32 v6;
	[tilespmem:v14+s25+$0x0] =	vst.idx.add.f32.msk $0xffff, v4  }
0x17c: {  	v4 =	vmul.f32 $9.999999040e+00, v20;
	v6 =	vcvt.f32.s32 v6;
	[tilespmem:v7+s25+$0x0] =	vst.idx.add.f32.msk $0xffff, v9  }
0x17d: {  	v7 =	vmul.f32 $9.999999040e+00, v2;
	v5 =	vshll.u32 v5, $0x7;
	v9 =	vmul.f32 $9.999999040e+00, v3;
	[tilespmem:v12+s25+$0x0] =	vst.idx.add.f32.msk $0xffff, v8  }
0x17e: {  	v8 =	vcvt.f32.s32 v10;
	v10 =	vtrunc.f32 v4;
	v11 =	vor.u32 v1, v5;
	v12 =	vld [tilespmem:s30+$0x30]  }
0x17f: {  	v14 =	vmul.f32 $9.999999040e+00, v21;
	v4 =	vtrunc.f32 v7;
	v5 =	vshll.u32 v6, $0x7;
	v13 =	vld [tilespmem:s30+$0xFFFFFFF0]  }
0x180: {  	v6 =	vshll.u32 v8, $0x7;
	v7 =	vcvt.f32.s32 v4;
	v18 =	vor.u32 v1, v5;
	v4 =	vld [tilespmem:s0+$0x10]  }
0x181: {  	v8 =	vcvt.f32.s32 v10;
	v5 =	vtrunc.f32 v9;
	v9 =	vsub.f32 v15, v16;
	v22 =	vld [tilespmem:s30+$0xFFFFFFE0]  }
0x182: {  	v15 =	vor.u32 v1, v6;
	v16 =	vcvt.f32.s32 v5;
	v7 =	vshll.u32 v7, $0x7;
	v6 =	vld [tilespmem:s30+$0x10]  }
.Ltmp5:
0x183: {  	v5 =	vor.u32 v1, v7;
	v7 =	vshll.u32 v8, $0x7;
	[tilespmem:v11+s25+$0x0] =	vst.idx.add.f32.msk $0xffff, v9;
	v9 =	vsub.f32 v19, v12;
	(pc) =	sbr.rel @p0 .LBB2_12-.Ltmp5, $4  }
0x184: {  	v8 =	vtrunc.f32 v14;
	v7 =	vor.u32 v1, v7;
	v11 =	vshll.u32 v16, $0x7;
	v10 =	vld [tilespmem:s30+$0x0]  }
0x185: {  	v12 =	vcvt.f32.s32 v8;
	v8 =	vsub.f32 v21, v13;
	v14 =	vmul.f32 $9.999999040e+00, v4;
	[tilespmem:v18+s25+$0x0] =	vst.idx.add.f32.msk $0xffff, v9  }
0x186: {  	v13 =	vld [tilespmem:s30+$0xFFFFFFD0];
	v9 =	vsub.f32 v20, v22  }
0x187: {  	s0 =	sadd.s32 $0x80, s0;
	v12 =	vshll.u32 v12, $0x7;
	[tilespmem:v15+s25+$0x0] =	vst.idx.add.f32.msk $0xffff, v17;
	v14 =	vtrunc.f32 v14  }
0x188: {  	v14 =	vcvt.f32.s32 v14;
	v11 =	vor.u32 v1, v11;
	_ =	sdelay $0x1  }
0x189: {  	v3 =	vsub.f32 v3, v10;
	v10 =	vor.u32 v1, v12;
	v14 =	vshll.u32 v14, $0x7  }
0x18a: {  	v14 =	vor.u32 v1, v14  }
0x18b: {  	[tilespmem:v7+s25+$0x0] =	vst.idx.add.f32.msk $0xffff, v9;
	v2 =	vsub.f32 v2, v13  }
0x18c: {  	[tilespmem:v11+s25+$0x0] =	vst.idx.add.f32.msk $0xffff, v3  }
0x18d: {  	v4 =	vsub.f32 v4, v6;
	[tilespmem:v5+s25+$0x0] =	vst.idx.add.f32.msk $0xffff, v2  }
0x18e: {  	[tilespmem:v10+s25+$0x0] =	vst.idx.add.f32.msk $0xffff, v8  }
0x18f: {  	[tilespmem:v14+s25+$0x0] =	vst.idx.add.f32.msk $0xffff, v4  }
0x190: {  	[tilespmem:s22], [sflag:$0x2] =	stream.linear.gather [hbm4b:s17+s2], $0x4000, $0x38;
	[tilespmem:$0x10800] =	vst v63  }
0x191: {  	_ = 	snop  }
0x192: {  	[tilespmem:s23], [sflag:$0x2] =	stream.linear.gather [hbm4b:s18+s2], $0x4000, $0x38;
	[tilespmem:$0x10800] =	vst v63  }
0x193: {  	_ =	swait.ge [sflag:s24], $0x4000  }
0x194: {  	[sflag:s24] =	ssyncset.done $0x0  }
0x195: {  	[sflag:s24] =	ssyncadd.s32 $0xFFFFC000  }
0x196: {  	_ =	swait.ge [sflag:s24], $0x4000  }
0x197: {  	[sflag:s24] =	ssyncset.done $0x0  }
0x198: {  	s0 =	simm.s32 $0x40;
	[sflag:s24] =	ssyncadd.s32 $0xFFFFC000  }
0x199: {  	v5 =	vld [tilespmem:s0+$0x20];
	_ =	sdelay $0x1  }
0x19a: {  	v7 =	vld [tilespmem:s0+$0x30]  }
0x19b: {  	s30 =	simm.s32 $0x4040;
	v4 =	vld [tilespmem:s0+$0xFFFFFFC0]  }
0x19c: {  	v6 =	vld [tilespmem:s30+$0xFFFFFFC0]  }
0x19d: {  	v3 =	vld [tilespmem:s0+$0x0];
	v8 =	vmul.f32 $9.999999040e+00, v5  }
0x19e: {  	v2 =	vld [tilespmem:s0+$0xFFFFFFD0]  }
0x19f: {  	v12 =	vld [tilespmem:s30+$0x20];
	v10 =	vmul.f32 $9.999999040e+00, v7;
	v8 =	vtrunc.f32 v8  }
0x1a0: {  	v9 =	vld [tilespmem:s0+$0xFFFFFFE0];
	v8 =	vcvt.f32.s32 v8  }
0x1a1: {  	v13 =	vld [tilespmem:s0+$0xFFFFFFF0];
	v11 =	vmul.f32 $9.999999040e+00, v4;
	v14 =	vsub.f32 v4, v6;
	v4 =	vtrunc.f32 v10  }
0x1a2: {  	v15 =	vld [tilespmem:s30+$0x30];
	v16 =	vmul.f32 $9.999999040e+00, v3;
	v4 =	vcvt.f32.s32 v4;
	v8 =	vshll.u32 v8, $0x7  }
0x1a3: {  	v6 =	vtrunc.f32 v11;
	v11 =	vmul.f32 $9.999999040e+00, v2;
	v8 =	vor.u32 v1, v8  }
0x1a4: {  	v19 =	vld [tilespmem:s30+$0xFFFFFFE0];
	v5 =	vsub.f32 v5, v12;
	v6 =	vcvt.f32.s32 v6;
	v18 =	vshll.u32 v4, $0x7  }
0x1a5: {  	v10 =	vmul.f32 $9.999999040e+00, v9;
	v11 =	vtrunc.f32 v11;
	v4 =	vld [tilespmem:s0+$0x10];
	v18 =	vor.u32 v1, v18  }
0x1a6: {  	v17 =	vld [tilespmem:s30+$0xFFFFFFF0];
	v12 =	vmul.f32 $9.999999040e+00, v13;
	v6 =	vshll.u32 v6, $0x7;
	v11 =	vcvt.f32.s32 v11  }
0x1a7: {  	v7 =	vsub.f32 v7, v15;
	v10 =	vtrunc.f32 v10;
	v21 =	vor.u32 v1, v6;
	v6 =	vld [tilespmem:s30+$0x10]  }
0x1a8: {  	v20 =	vcvt.f32.s32 v10;
	v10 =	vtrunc.f32 v16;
	v11 =	vshll.u32 v11, $0x7;
	[tilespmem:v8+s25+$0x0] =	vst.idx.add.f32.msk $0xffff, v5  }
0x1a9: {  	v8 =	vcvt.f32.s32 v10;
	v5 =	vor.u32 v1, v11;
	v11 =	vtrunc.f32 v12;
	v10 =	vld [tilespmem:s30+$0x0]  }
0x1aa: {  	v9 =	vsub.f32 v9, v19;
	v63 =	vmul.f32 $9.999999040e+00, v4;
	[tilespmem:v18+s25+$0x0] =	vst.idx.add.f32.msk $0xffff, v7;
	v15 =	vcvt.f32.s32 v11  }
0x1ab: {  	v12 =	vshll.u32 v20, $0x7;
	v11 =	vshll.u32 v8, $0x7;
	v8 =	vsub.f32 v13, v17;
	v13 =	vld [tilespmem:s30+$0xFFFFFFD0]  }
0x1ac: {  	s31 =	simm.s32 $0x0;
	s0 =	simm.s32 $0xC0;
	[tilespmem:v21+s25+$0x0] =	vst.idx.add.f32.msk $0xffff, v14;
	v7 =	vor.u32 v1, v12;
	v14 =	vtrunc.f32 v63;
	v12 =	vshll.u32 v15, $0x7  }
.LBB2_14:
0x1ad: {  	v15 =	vld [tilespmem:s0+$0x20];
	s31 =	sadd.s32 $0x8, s31;
	v14 =	vcvt.f32.s32 v14;
	s30 =	sadd.s32 $0x80, s30  }
0x1ae: {  	v16 =	vld [tilespmem:s30+$0x20];
	p0 =	slt.u32 s31, $0x3F8  }
0x1af: {  	v17 =	vld [tilespmem:s30+$0xFFFFFFC0];
	v14 =	vshll.u32 v14, $0x7  }
0x1b0: {  	v11 =	vor.u32 v1, v11;
	v18 =	vld [tilespmem:s0+$0xFFFFFFC0];
	v13 =	vsub.f32 v2, v13;
	v14 =	vor.u32 v1, v14  }
0x1b1: {  	v10 =	vsub.f32 v3, v10;
	v19 =	vld [tilespmem:s0+$0x30]  }
0x1b2: {  	v2 =	vld [tilespmem:s0+$0xFFFFFFD0]  }
0x1b3: {  	v20 =	vld [tilespmem:s0+$0xFFFFFFE0]  }
0x1b4: {  	v12 =	vor.u32 v1, v12;
	v21 =	vld [tilespmem:s0+$0xFFFFFFF0]  }
0x1b5: {  	v4 =	vsub.f32 v4, v6;
	v23 =	vmul.f32 $9.999999040e+00, v15;
	v22 =	vmul.f32 $9.999999040e+00, v18;
	v3 =	vld [tilespmem:s0+$0x0]  }
0x1b6: {  	v17 =	vsub.f32 v18, v17;
	v6 =	vmul.f32 $9.999999040e+00, v19;
	[tilespmem:v11+s25+$0x0] =	vst.idx.add.f32.msk $0xffff, v10  }
0x1b7: {  	v11 =	vtrunc.f32 v23;
	v10 =	vtrunc.f32 v22;
	[tilespmem:v5+s25+$0x0] =	vst.idx.add.f32.msk $0xffff, v13  }
0x1b8: {  	v5 =	vcvt.f32.s32 v11;
	v6 =	vtrunc.f32 v6;
	[tilespmem:v14+s25+$0x0] =	vst.idx.add.f32.msk $0xffff, v4  }
0x1b9: {  	v4 =	vmul.f32 $9.999999040e+00, v20;
	v6 =	vcvt.f32.s32 v6;
	[tilespmem:v7+s25+$0x0] =	vst.idx.add.f32.msk $0xffff, v9  }
0x1ba: {  	v7 =	vmul.f32 $9.999999040e+00, v2;
	v5 =	vshll.u32 v5, $0x7;
	v9 =	vmul.f32 $9.999999040e+00, v3;
	[tilespmem:v12+s25+$0x0] =	vst.idx.add.f32.msk $0xffff, v8  }
0x1bb: {  	v8 =	vcvt.f32.s32 v10;
	v10 =	vtrunc.f32 v4;
	v11 =	vor.u32 v1, v5;
	v12 =	vld [tilespmem:s30+$0x30]  }
0x1bc: {  	v14 =	vmul.f32 $9.999999040e+00, v21;
	v4 =	vtrunc.f32 v7;
	v5 =	vshll.u32 v6, $0x7;
	v13 =	vld [tilespmem:s30+$0xFFFFFFF0]  }
0x1bd: {  	v6 =	vshll.u32 v8, $0x7;
	v7 =	vcvt.f32.s32 v4;
	v18 =	vor.u32 v1, v5;
	v4 =	vld [tilespmem:s0+$0x10]  }
0x1be: {  	v8 =	vcvt.f32.s32 v10;
	v5 =	vtrunc.f32 v9;
	v9 =	vsub.f32 v15, v16;
	v22 =	vld [tilespmem:s30+$0xFFFFFFE0]  }
0x1bf: {  	v15 =	vor.u32 v1, v6;
	v16 =	vcvt.f32.s32 v5;
	v7 =	vshll.u32 v7, $0x7;
	v6 =	vld [tilespmem:s30+$0x10]  }
.Ltmp6:
0x1c0: {  	v5 =	vor.u32 v1, v7;
	v7 =	vshll.u32 v8, $0x7;
	[tilespmem:v11+s25+$0x0] =	vst.idx.add.f32.msk $0xffff, v9;
	v9 =	vsub.f32 v19, v12;
	(pc) =	sbr.rel @p0 .LBB2_14-.Ltmp6, $4  }
0x1c1: {  	v8 =	vtrunc.f32 v14;
	v7 =	vor.u32 v1, v7;
	v11 =	vshll.u32 v16, $0x7;
	v10 =	vld [tilespmem:s30+$0x0]  }
0x1c2: {  	v12 =	vcvt.f32.s32 v8;
	v8 =	vsub.f32 v21, v13;
	v14 =	vmul.f32 $9.999999040e+00, v4;
	[tilespmem:v18+s25+$0x0] =	vst.idx.add.f32.msk $0xffff, v9  }
0x1c3: {  	v13 =	vld [tilespmem:s30+$0xFFFFFFD0];
	v9 =	vsub.f32 v20, v22  }
0x1c4: {  	s0 =	sadd.s32 $0x80, s0;
	v12 =	vshll.u32 v12, $0x7;
	[tilespmem:v15+s25+$0x0] =	vst.idx.add.f32.msk $0xffff, v17;
	v14 =	vtrunc.f32 v14  }
0x1c5: {  	v14 =	vcvt.f32.s32 v14;
	v11 =	vor.u32 v1, v11;
	_ =	sdelay $0x1  }
0x1c6: {  	v3 =	vsub.f32 v3, v10;
	v10 =	vor.u32 v1, v12;
	v14 =	vshll.u32 v14, $0x7  }
0x1c7: {  	v14 =	vor.u32 v1, v14  }
0x1c8: {  	[tilespmem:v7+s25+$0x0] =	vst.idx.add.f32.msk $0xffff, v9;
	v2 =	vsub.f32 v2, v13  }
0x1c9: {  	[tilespmem:v11+s25+$0x0] =	vst.idx.add.f32.msk $0xffff, v3  }
0x1ca: {  	v4 =	vsub.f32 v4, v6;
	[tilespmem:v5+s25+$0x0] =	vst.idx.add.f32.msk $0xffff, v2  }
0x1cb: {  	[tilespmem:v10+s25+$0x0] =	vst.idx.add.f32.msk $0xffff, v8  }
0x1cc: {  	[tilespmem:v14+s25+$0x0] =	vst.idx.add.f32.msk $0xffff, v4  }
0x1cd: {  	_ =	swait.ge [sflag:s26], $0x4000  }
0x1ce: {  	[sflag:s26] =	ssyncset.done $0x0  }
0x1cf: {  	[sflag:s26] =	ssyncadd.s32 $0xFFFFC000  }
0x1d0: {  	_ =	swait.ge [sflag:s26], $0x4000  }
0x1d1: {  	[sflag:s26] =	ssyncset.done $0x0  }
0x1d2: {  	s0 =	simm.s32 $0x8040;
	[sflag:s26] =	ssyncadd.s32 $0xFFFFC000  }
0x1d3: {  	v5 =	vld [tilespmem:s0+$0x20];
	_ =	sdelay $0x1  }
0x1d4: {  	v7 =	vld [tilespmem:s0+$0x30]  }
0x1d5: {  	s30 =	simm.s32 $0xC040;
	v4 =	vld [tilespmem:s0+$0xFFFFFFC0]  }
0x1d6: {  	v6 =	vld [tilespmem:s30+$0xFFFFFFC0]  }
0x1d7: {  	v3 =	vld [tilespmem:s0+$0x0];
	v8 =	vmul.f32 $9.999999040e+00, v5  }
0x1d8: {  	v2 =	vld [tilespmem:s0+$0xFFFFFFD0]  }
0x1d9: {  	v12 =	vld [tilespmem:s30+$0x20];
	v10 =	vmul.f32 $9.999999040e+00, v7;
	v8 =	vtrunc.f32 v8  }
0x1da: {  	v9 =	vld [tilespmem:s0+$0xFFFFFFE0];
	v8 =	vcvt.f32.s32 v8  }
0x1db: {  	v13 =	vld [tilespmem:s0+$0xFFFFFFF0];
	v11 =	vmul.f32 $9.999999040e+00, v4;
	v14 =	vsub.f32 v4, v6;
	v4 =	vtrunc.f32 v10  }
0x1dc: {  	v15 =	vld [tilespmem:s30+$0x30];
	v16 =	vmul.f32 $9.999999040e+00, v3;
	v4 =	vcvt.f32.s32 v4;
	v8 =	vshll.u32 v8, $0x7  }
0x1dd: {  	v6 =	vtrunc.f32 v11;
	v11 =	vmul.f32 $9.999999040e+00, v2;
	v8 =	vor.u32 v1, v8  }
0x1de: {  	v19 =	vld [tilespmem:s30+$0xFFFFFFE0];
	v5 =	vsub.f32 v5, v12;
	v6 =	vcvt.f32.s32 v6;
	v18 =	vshll.u32 v4, $0x7  }
0x1df: {  	v10 =	vmul.f32 $9.999999040e+00, v9;
	v11 =	vtrunc.f32 v11;
	v4 =	vld [tilespmem:s0+$0x10];
	v18 =	vor.u32 v1, v18  }
0x1e0: {  	v17 =	vld [tilespmem:s30+$0xFFFFFFF0];
	v12 =	vmul.f32 $9.999999040e+00, v13;
	v6 =	vshll.u32 v6, $0x7;
	v11 =	vcvt.f32.s32 v11  }
0x1e1: {  	v7 =	vsub.f32 v7, v15;
	v10 =	vtrunc.f32 v10;
	v21 =	vor.u32 v1, v6;
	v6 =	vld [tilespmem:s30+$0x10]  }
0x1e2: {  	v20 =	vcvt.f32.s32 v10;
	v10 =	vtrunc.f32 v16;
	v11 =	vshll.u32 v11, $0x7;
	[tilespmem:v8+s25+$0x0] =	vst.idx.add.f32.msk $0xffff, v5  }
0x1e3: {  	v8 =	vcvt.f32.s32 v10;
	v5 =	vor.u32 v1, v11;
	v11 =	vtrunc.f32 v12;
	v10 =	vld [tilespmem:s30+$0x0]  }
0x1e4: {  	v9 =	vsub.f32 v9, v19;
	v63 =	vmul.f32 $9.999999040e+00, v4;
	[tilespmem:v18+s25+$0x0] =	vst.idx.add.f32.msk $0xffff, v7;
	v15 =	vcvt.f32.s32 v11  }
0x1e5: {  	v12 =	vshll.u32 v20, $0x7;
	v11 =	vshll.u32 v8, $0x7;
	v8 =	vsub.f32 v13, v17;
	v13 =	vld [tilespmem:s30+$0xFFFFFFD0]  }
0x1e6: {  	s31 =	simm.s32 $0x0;
	s0 =	simm.s32 $0x80C0;
	[tilespmem:v21+s25+$0x0] =	vst.idx.add.f32.msk $0xffff, v14;
	v7 =	vor.u32 v1, v12;
	v14 =	vtrunc.f32 v63;
	v12 =	vshll.u32 v15, $0x7  }
.LBB2_16:
0x1e7: {  	v15 =	vld [tilespmem:s0+$0x20];
	s31 =	sadd.s32 $0x8, s31;
	v14 =	vcvt.f32.s32 v14;
	s30 =	sadd.s32 $0x80, s30  }
0x1e8: {  	v16 =	vld [tilespmem:s30+$0x20];
	p0 =	slt.u32 s31, $0x3F8  }
0x1e9: {  	v17 =	vld [tilespmem:s30+$0xFFFFFFC0];
	v14 =	vshll.u32 v14, $0x7  }
0x1ea: {  	v11 =	vor.u32 v1, v11;
	v18 =	vld [tilespmem:s0+$0xFFFFFFC0];
	v13 =	vsub.f32 v2, v13;
	v14 =	vor.u32 v1, v14  }
0x1eb: {  	v10 =	vsub.f32 v3, v10;
	v19 =	vld [tilespmem:s0+$0x30]  }
0x1ec: {  	v2 =	vld [tilespmem:s0+$0xFFFFFFD0]  }
0x1ed: {  	v20 =	vld [tilespmem:s0+$0xFFFFFFE0]  }
0x1ee: {  	v12 =	vor.u32 v1, v12;
	v21 =	vld [tilespmem:s0+$0xFFFFFFF0]  }
0x1ef: {  	v4 =	vsub.f32 v4, v6;
	v23 =	vmul.f32 $9.999999040e+00, v15;
	v22 =	vmul.f32 $9.999999040e+00, v18;
	v3 =	vld [tilespmem:s0+$0x0]  }
0x1f0: {  	v17 =	vsub.f32 v18, v17;
	v6 =	vmul.f32 $9.999999040e+00, v19;
	[tilespmem:v11+s25+$0x0] =	vst.idx.add.f32.msk $0xffff, v10  }
0x1f1: {  	v11 =	vtrunc.f32 v23;
	v10 =	vtrunc.f32 v22;
	[tilespmem:v5+s25+$0x0] =	vst.idx.add.f32.msk $0xffff, v13  }
0x1f2: {  	v5 =	vcvt.f32.s32 v11;
	v6 =	vtrunc.f32 v6;
	[tilespmem:v14+s25+$0x0] =	vst.idx.add.f32.msk $0xffff, v4  }
0x1f3: {  	v4 =	vmul.f32 $9.999999040e+00, v20;
	v6 =	vcvt.f32.s32 v6;
	[tilespmem:v7+s25+$0x0] =	vst.idx.add.f32.msk $0xffff, v9  }
0x1f4: {  	v7 =	vmul.f32 $9.999999040e+00, v2;
	v5 =	vshll.u32 v5, $0x7;
	v9 =	vmul.f32 $9.999999040e+00, v3;
	[tilespmem:v12+s25+$0x0] =	vst.idx.add.f32.msk $0xffff, v8  }
0x1f5: {  	v8 =	vcvt.f32.s32 v10;
	v10 =	vtrunc.f32 v4;
	v11 =	vor.u32 v1, v5;
	v12 =	vld [tilespmem:s30+$0x30]  }
0x1f6: {  	v14 =	vmul.f32 $9.999999040e+00, v21;
	v4 =	vtrunc.f32 v7;
	v5 =	vshll.u32 v6, $0x7;
	v13 =	vld [tilespmem:s30+$0xFFFFFFF0]  }
0x1f7: {  	v6 =	vshll.u32 v8, $0x7;
	v7 =	vcvt.f32.s32 v4;
	v18 =	vor.u32 v1, v5;
	v4 =	vld [tilespmem:s0+$0x10]  }
0x1f8: {  	v8 =	vcvt.f32.s32 v10;
	v5 =	vtrunc.f32 v9;
	v9 =	vsub.f32 v15, v16;
	v22 =	vld [tilespmem:s30+$0xFFFFFFE0]  }
0x1f9: {  	v15 =	vor.u32 v1, v6;
	v16 =	vcvt.f32.s32 v5;
	v7 =	vshll.u32 v7, $0x7;
	v6 =	vld [tilespmem:s30+$0x10]  }
.Ltmp7:
0x1fa: {  	v5 =	vor.u32 v1, v7;
	v7 =	vshll.u32 v8, $0x7;
	[tilespmem:v11+s25+$0x0] =	vst.idx.add.f32.msk $0xffff, v9;
	v9 =	vsub.f32 v19, v12;
	(pc) =	sbr.rel @p0 .LBB2_16-.Ltmp7, $4  }
0x1fb: {  	v8 =	vtrunc.f32 v14;
	v7 =	vor.u32 v1, v7;
	v11 =	vshll.u32 v16, $0x7;
	v10 =	vld [tilespmem:s30+$0x0]  }
0x1fc: {  	v12 =	vcvt.f32.s32 v8;
	v8 =	vsub.f32 v21, v13;
	v14 =	vmul.f32 $9.999999040e+00, v4;
	[tilespmem:v18+s25+$0x0] =	vst.idx.add.f32.msk $0xffff, v9  }
0x1fd: {  	v13 =	vld [tilespmem:s30+$0xFFFFFFD0];
	v9 =	vsub.f32 v20, v22  }
0x1fe: {  	s0 =	sadd.s32 $0x80, s0;
	v12 =	vshll.u32 v12, $0x7;
	[tilespmem:v15+s25+$0x0] =	vst.idx.add.f32.msk $0xffff, v17;
	v14 =	vtrunc.f32 v14  }
0x1ff: {  	v14 =	vcvt.f32.s32 v14;
	v11 =	vor.u32 v1, v11;
	_ =	sdelay $0x1  }
0x200: {  	v63 =	vor.u32 v1, v12;
	v14 =	vshll.u32 v14, $0x7  }
0x201: {  	v3 =	vsub.f32 v3, v10;
	v14 =	vor.u32 v1, v14  }
0x202: {  	[tilespmem:v7+s25+$0x0] =	vst.idx.add.f32.msk $0xffff, v9;
	v2 =	vsub.f32 v2, v13  }
0x203: {  	[tilespmem:v11+s25+$0x0] =	vst.idx.add.f32.msk $0xffff, v3  }
0x204: {  	v4 =	vsub.f32 v4, v6;
	s29 =	sadd.s32 $0x1, s29;
	[tilespmem:v5+s25+$0x0] =	vst.idx.add.f32.msk $0xffff, v2  }
0x205: {  	p0 =	sne.s32 s29, s20;
	[tilespmem:v63+s25+$0x0] =	vst.idx.add.f32.msk $0xffff, v8  }
.Ltmp8:
0x206: {  	[tilespmem:v14+s25+$0x0] =	vst.idx.add.f32.msk $0xffff, v4;
	(pc) =	sbr.rel @p0 .LBB2_1-.Ltmp8, $4  }
0x207: {  	[hbm4b:s19+s2] =	stream.linear.scatter [tilespmem:s25], [sflag:$0x3], $0x500, $0x38;
	[tilespmem:$0x10800] =	vst v63  }
0x208: {  	_ =	swait.ge [sflag:s28], $0x500  }
0x209: {  	[sflag:s28] =	ssyncset.done $0x0  }
0x20a: {  	[sflag:s28] =	ssyncadd.s32 $0xFFFFFB00  }
0x20b: {  	_ =	sfence.sel $0x180000  }
0x20c: {  	[bflag:$0x0] =	sbarrier.arrive $0xFFFF  }
0x20d: {  	_ =	strace $0x90000047  }
0x20e: {  	[bflag:$0x2] =	sbarrier.arrive $0xFFFF  }
0x20f: {  	p0 =	sne.s32 s1, $0x0;
	s0 =	rddreg [dreg:$0x3]  }
0x210: {  	s0 =	sadd.s32 @!p0 $0x100000, s0  }
0x211: {  	[sflag:s0] =	ssyncadd.tile.s32 @!p0 $0x1;
	_ =	shalt  }
.Lfunc_end2:
_tile_overlayer_lowered:
.L_overlay_start_2:
0x212: {  	(tag) =	ssettag $0x2  }
0x213: {  	s0 =	rddreg [dreg:$0x0];
	s2 =	stileid.u32  }
0x214: {  	s1 =	rddreg [dreg:$0x1];
	p0 =	sne.s32 s2, $0x0  }
0x215: {  	s3 =	rddreg [dreg:$0x2];
	[bflag:$0x3] =	sbarrier.arrive $0xFFFF;
	s2 =	simm.s32 @!p0 $0x1C03  }
0x216: {  	[timem:s3], [sflag:s2] =	dma.local @!p0 [hbm:s0], s1  }
0x217: {  	s0 =	simm.s32 @!p0 $0x3  }
0x218: {  	_ =	swait.ge @!p0 [sflag:s0], s1  }
0x219: {  	s1 =	ssub.s32 @!p0 $0x0, s1;
	[sflag:s0] =	ssyncset.done @!p0 $0x0  }
0x21a: {  	[sflag:s0] =	ssyncadd.s32 @!p0 s1  }
0x21b: {  	[bflag:$0x3] =	sbarrier.arrive $0xFFFF  }
0x21c: {  	_ =	shalt  }

</sc_bundles>
